<compile_context>
chip_gen: v7x
topology: tpu7x:2x2x1
jax: 0.10.2.dev20260603
libtpu: 0.0.44.dev20260713+nightly
codegen_flags: <defaults>
</compile_context>

<pallas_src>
import functools

import jax
import jax.numpy as jnp
from jax import lax
from jax.experimental import pallas as pl
from jax.experimental.pallas import tpu as pltpu
from jax.experimental.pallas import tpu_sc as plsc

B = 32
H = 512
W = 512
NC = 2
NS = 16
L = 16
NW = NC * NS

SC_IMGS = 14
TC_IMGS = B - SC_IMGS
KROWS = SC_IMGS * H // NW

ROWS_PER_CHUNK = 32
NCHUNK = KROWS // ROWS_PER_CHUNK
GPW = W // L
GPR = 8

_mesh = plsc.VectorSubcoreMesh(core_axis_name="c", subcore_axis_name="s")


@functools.partial(
    pl.kernel,
    mesh=_mesh,
    out_type=jax.ShapeDtypeStruct((NW, L), jnp.int32),
    scratch_types=[
        pltpu.VMEM((ROWS_PER_CHUNK, W), jnp.float32),
        pltpu.VMEM((ROWS_PER_CHUNK, W), jnp.float32),
        pltpu.VMEM((ROWS_PER_CHUNK, W), jnp.float32),
        pltpu.VMEM((ROWS_PER_CHUNK, W), jnp.float32),
        pltpu.VMEM((L,), jnp.int32),
        pltpu.SemaphoreType.DMA,
        pltpu.SemaphoreType.DMA,
    ],
)
def _delta1_sc(pred_hbm, target_hbm, out_hbm, p0, p1, t0, t1, obuf, sem0, sem1):
    cid = lax.axis_index("c")
    sid = lax.axis_index("s")
    wid = sid * NC + cid
    g0 = wid * KROWS
    pbufs = (p0, p1)
    tbufs = (t0, t1)
    sems = (sem0, sem1)

    def start(c, slot):
        g = g0 + c * ROWS_PER_CHUNK
        img = lax.div(g, H)
        rows = pl.ds(lax.rem(g, H), ROWS_PER_CHUNK)
        pltpu.async_copy(pred_hbm.at[img, rows, :], pbufs[slot], sems[slot])
        pltpu.async_copy(target_hbm.at[img, rows, :], tbufs[slot], sems[slot])

    def wait(slot):
        img = lax.div(g0, H)
        rows = pl.ds(0, ROWS_PER_CHUNK)
        pltpu.make_async_copy(pred_hbm.at[img, rows, :], pbufs[slot], sems[slot]).wait()
        pltpu.make_async_copy(target_hbm.at[img, rows, :], tbufs[slot], sems[slot]).wait()

    start(0, 0)
    start(1, 1)
    zero = jnp.zeros((L,), jnp.int32)

    def outer(j, acc):
        for slot in range(2):
            c = 2 * j + slot
            wait(slot)
            pb = pbufs[slot]
            tb = tbufs[slot]

            def body(i, carry, pb=pb, tb=tb):
                accs = list(carry)
                row = lax.shift_right_logical(i, 2)
                col = pl.multiple_of((i & 3) * (GPR * L), GPR * L)
                for k in range(GPR):
                    p = pb[row, pl.ds(col + k * L, L)]
                    t = tb[row, pl.ds(col + k * L, L)]
                    corr = (p < 1.25 * t) & (t < 1.25 * p)
                    valid = t > 0.0
                    step = jnp.where(corr, 0x10001, jnp.where(valid, 0x10000, 0))
                    accs[k % 4] = accs[k % 4] + step
                return tuple(accs)

            acc = plsc.parallel_loop(0, ROWS_PER_CHUNK * (GPW // GPR), 1, carry=acc)(body)

            @pl.when(c + 2 < NCHUNK)
            def _():
                start(c + 2, slot)

        return acc

    acc = lax.fori_loop(0, NCHUNK // 2, outer, (zero, zero, zero, zero))

    if NCHUNK % 2:
        wait(0)

        def tail_body(i, carry):
            accs = list(carry)
            row = lax.shift_right_logical(i, 2)
            col = pl.multiple_of((i & 3) * (GPR * L), GPR * L)
            for k in range(GPR):
                p = p0[row, pl.ds(col + k * L, L)]
                t = t0[row, pl.ds(col + k * L, L)]
                corr = (p < 1.25 * t) & (t < 1.25 * p)
                valid = t > 0.0
                step = jnp.where(corr, 0x10001, jnp.where(valid, 0x10000, 0))
                accs[k % 4] = accs[k % 4] + step
            return tuple(accs)

        acc = plsc.parallel_loop(0, ROWS_PER_CHUNK * (GPW // GPR), 1, carry=acc)(tail_body)

    a0, a1, a2, a3 = acc
    obuf[...] = (a0 + a1) + (a2 + a3)
    pltpu.sync_copy(obuf, out_hbm.at[wid])


RB = 512
TC_STEPS = TC_IMGS * (H // RB)


def _delta1_tc_body(p_ref, t_ref, o_ref):
    i = pl.program_id(0)

    @pl.when(i == 0)
    def _():
        o_ref[...] = jnp.zeros_like(o_ref)

    p = p_ref[0]
    t = t_ref[0]
    corr = (p < 1.25 * t) & (t < 1.25 * p)
    valid = t > 0.0
    step = jnp.where(corr, 0x10001, jnp.where(valid, 0x10000, 0))
    o_ref[0] = o_ref[0] + jnp.sum(step.reshape(RB // 8, 8, W), axis=0)


_delta1_tc = pl.pallas_call(
    _delta1_tc_body,
    grid=(TC_STEPS,),
    in_specs=[
        pl.BlockSpec((1, RB, W), lambda i: (i // (H // RB) + SC_IMGS, i % (H // RB), 0)),
        pl.BlockSpec((1, RB, W), lambda i: (i // (H // RB) + SC_IMGS, i % (H // RB), 0)),
    ],
    out_specs=pl.BlockSpec((1, 8, W), lambda i: (0, 0, 0)),
    out_shape=jax.ShapeDtypeStruct((1, 8, W), jnp.int32),
)


def kernel(pred, target):
    sc_partials = _delta1_sc(pred, target)
    tc_partials = _delta1_tc(pred, target)
    sum_c = (jnp.sum(sc_partials & 0xFFFF) + jnp.sum(tc_partials & 0xFFFF)).astype(jnp.float32)
    sum_v = (jnp.sum(sc_partials >> 16) + jnp.sum(tc_partials >> 16)).astype(jnp.float32)
    acc = sum_c / jnp.maximum(sum_v, 1.0)
    return jnp.where(sum_v < 10.0, jnp.float32(-1.0), acc)

# --- scband reference (transcript-rebuilt; emitter-appended) ---
"""Pipeline reference for scband-a1-34291018891429 (READ-ONLY COPY).

The authoritative reference and input builder live on the scoring server;
editing this copy changes nothing except your own understanding.
"""

import jax, jax.numpy as jnp
import numpy as np


def setup_inputs(seed: int = 0) -> dict:
    key = jax.random.key(seed)
    k1, k2 = jax.random.split(key)
    pred = jax.random.uniform(k1, (32, 512, 512), dtype=jnp.float32)
    target = jax.random.uniform(k2, (32, 512, 512), dtype=jnp.float32)
    return {"pred": pred, "target": target}


def reference(pred, target):
    # delta1 accuracy metric (thresh < 1.25) over valid (target > 0) pixels
    val_pixels = target > 0
    num_pixels = jnp.sum(val_pixels)
    # safe denominators for masked-out pixels (they contribute 0 regardless)
    t_safe = jnp.where(val_pixels, target, 1.0)
    p_safe = jnp.where(val_pixels, pred, 1.0)
    thresh = jnp.maximum(p_safe / t_safe, t_safe / p_safe)
    correct = jnp.where(val_pixels, (thresh < 1.25).astype(jnp.float32), 0.0)
    acc = jnp.sum(correct) / jnp.maximum(num_pixels, 1).astype(jnp.float32)
    # torch code returns -1 if fewer than 10 valid pixels
    return jnp.where(num_pixels < 10, jnp.float32(-1.0), acc)

if __name__ == "__main__":
    import jax
    _d = setup_inputs()
    print(jax.jit(kernel)(*tuple(_d.values())))

</pallas_src>

<mosaic_0001>
#map = affine_map<(d0, d1) -> (0, 0, 0)>
#map1 = affine_map<(d0, d1) -> (0, 0)>
module attributes {stable_mosaic.version = 14 : i64} {
  func.func @_delta1_sc(%arg0: i32, %arg1: i32, %arg2: memref<32x512x512xf32, #tpu.memory_space<hbm>>, %arg3: memref<32x512x512xf32, #tpu.memory_space<hbm>>, %arg4: memref<32x16xi32, #tpu.memory_space<hbm>>, %arg5: memref<32x512xf32, #tpu.memory_space<vmem>>, %arg6: memref<32x512xf32, #tpu.memory_space<vmem>>, %arg7: memref<32x512xf32, #tpu.memory_space<vmem>>, %arg8: memref<32x512xf32, #tpu.memory_space<vmem>>, %arg9: memref<16xi32, #tpu.memory_space<vmem>>, %arg10: memref<!tpu.dma_semaphore, #tpu.memory_space<semaphore_mem>>, %arg11: memref<!tpu.dma_semaphore, #tpu.memory_space<semaphore_mem>>) attributes {dimension_semantics = [#tpu.dimension_semantics<core_parallel>, #tpu.dimension_semantics<subcore_parallel>], iteration_bounds = array<i64: 2, 16>, scalar_prefetch = 0 : i64, scratch_operands = 7 : i64, tpu.core_type = #tpu.core_type<sc_vector_subcore>, window_params = [{transform_indices = #map}, {transform_indices = #map}, {transform_indices = #map1}]} {
    %mul3A = arith.constant 2 : i32
    %mul3A_0 = arith.muli %arg1, %mul3A : i32
    %add3A = arith.addi %mul3A_0, %arg0 : i32
    %mul3A_1 = arith.constant 224 : i32
    %mul3A_2 = arith.muli %add3A, %mul3A_1 : i32
    %add3A_3 = arith.constant 0 : i32
    %add3A_4 = arith.addi %mul3A_2, %add3A_3 : i32
    %div3A = arith.constant 512 : i32
    %div3A_5 = arith.divsi %add3A_4, %div3A : i32
    %rem3A = arith.constant 512 : i32
    %rem3A_6 = arith.remsi %add3A_4, %rem3A : i32
    %dma_start3A = arith.constant 0 : i32
    %dma_start3A_7 = tpu.memref_slice %arg2[%div3A_5, %rem3A_6, %dma_start3A] : memref<32x512x512xf32, #tpu.memory_space<hbm>> -> memref<1x32x512xf32, #tpu.memory_space<hbm>>
    %dma_start3A_8 = tpu.memref_squeeze %dma_start3A_7 : memref<1x32x512xf32, #tpu.memory_space<hbm>> -> memref<32x512xf32, #tpu.memory_space<hbm>>
    %dma_start3A_9 = arith.constant 0 : i32
    %dma_start3A_10 = tpu.memref_slice %arg2[%div3A_5, %rem3A_6, %dma_start3A_9] : memref<32x512x512xf32, #tpu.memory_space<hbm>> -> memref<1x32x512xf32, #tpu.memory_space<hbm>>
    %dma_start3A_11 = tpu.memref_squeeze %dma_start3A_10 : memref<1x32x512xf32, #tpu.memory_space<hbm>> -> memref<32x512xf32, #tpu.memory_space<hbm>>
    tpu.enqueue_dma source(%dma_start3A_11 : memref<32x512xf32, #tpu.memory_space<hbm>>) target(%arg5 : memref<32x512xf32, #tpu.memory_space<vmem>>) target_semaphore(%arg10 : memref<!tpu.dma_semaphore, #tpu.memory_space<semaphore_mem>>)
    %dma_start3A_12 = arith.constant 0 : i32
    %dma_start3A_13 = tpu.memref_slice %arg3[%div3A_5, %rem3A_6, %dma_start3A_12] : memref<32x512x512xf32, #tpu.memory_space<hbm>> -> memref<1x32x512xf32, #tpu.memory_space<hbm>>
    %dma_start3A_14 = tpu.memref_squeeze %dma_start3A_13 : memref<1x32x512xf32, #tpu.memory_space<hbm>> -> memref<32x512xf32, #tpu.memory_space<hbm>>
    %dma_start3A_15 = arith.constant 0 : i32
    %dma_start3A_16 = tpu.memref_slice %arg3[%div3A_5, %rem3A_6, %dma_start3A_15] : memref<32x512x512xf32, #tpu.memory_space<hbm>> -> memref<1x32x512xf32, #tpu.memory_space<hbm>>
    %dma_start3A_17 = tpu.memref_squeeze %dma_start3A_16 : memref<1x32x512xf32, #tpu.memory_space<hbm>> -> memref<32x512xf32, #tpu.memory_space<hbm>>
    tpu.enqueue_dma source(%dma_start3A_17 : memref<32x512xf32, #tpu.memory_space<hbm>>) target(%arg7 : memref<32x512xf32, #tpu.memory_space<vmem>>) target_semaphore(%arg10 : memref<!tpu.dma_semaphore, #tpu.memory_space<semaphore_mem>>)
    %add3A_18 = arith.constant 32 : i32
    %add3A_19 = arith.addi %mul3A_2, %add3A_18 : i32
    %div3A_20 = arith.constant 512 : i32
    %div3A_21 = arith.divsi %add3A_19, %div3A_20 : i32
    %rem3A_22 = arith.constant 512 : i32
    %rem3A_23 = arith.remsi %add3A_19, %rem3A_22 : i32
    %dma_start3A_24 = arith.constant 0 : i32
    %dma_start3A_25 = tpu.memref_slice %arg2[%div3A_21, %rem3A_23, %dma_start3A_24] : memref<32x512x512xf32, #tpu.memory_space<hbm>> -> memref<1x32x512xf32, #tpu.memory_space<hbm>>
    %dma_start3A_26 = tpu.memref_squeeze %dma_start3A_25 : memref<1x32x512xf32, #tpu.memory_space<hbm>> -> memref<32x512xf32, #tpu.memory_space<hbm>>
    %dma_start3A_27 = arith.constant 0 : i32
    %dma_start3A_28 = tpu.memref_slice %arg2[%div3A_21, %rem3A_23, %dma_start3A_27] : memref<32x512x512xf32, #tpu.memory_space<hbm>> -> memref<1x32x512xf32, #tpu.memory_space<hbm>>
    %dma_start3A_29 = tpu.memref_squeeze %dma_start3A_28 : memref<1x32x512xf32, #tpu.memory_space<hbm>> -> memref<32x512xf32, #tpu.memory_space<hbm>>
    tpu.enqueue_dma source(%dma_start3A_29 : memref<32x512xf32, #tpu.memory_space<hbm>>) target(%arg6 : memref<32x512xf32, #tpu.memory_space<vmem>>) target_semaphore(%arg11 : memref<!tpu.dma_semaphore, #tpu.memory_space<semaphore_mem>>)
    %dma_start3A_30 = arith.constant 0 : i32
    %dma_start3A_31 = tpu.memref_slice %arg3[%div3A_21, %rem3A_23, %dma_start3A_30] : memref<32x512x512xf32, #tpu.memory_space<hbm>> -> memref<1x32x512xf32, #tpu.memory_space<hbm>>
    %dma_start3A_32 = tpu.memref_squeeze %dma_start3A_31 : memref<1x32x512xf32, #tpu.memory_space<hbm>> -> memref<32x512xf32, #tpu.memory_space<hbm>>
    %dma_start3A_33 = arith.constant 0 : i32
    %dma_start3A_34 = tpu.memref_slice %arg3[%div3A_21, %rem3A_23, %dma_start3A_33] : memref<32x512x512xf32, #tpu.memory_space<hbm>> -> memref<1x32x512xf32, #tpu.memory_space<hbm>>
    %dma_start3A_35 = tpu.memref_squeeze %dma_start3A_34 : memref<1x32x512xf32, #tpu.memory_space<hbm>> -> memref<32x512xf32, #tpu.memory_space<hbm>>
    tpu.enqueue_dma source(%dma_start3A_35 : memref<32x512xf32, #tpu.memory_space<hbm>>) target(%arg8 : memref<32x512xf32, #tpu.memory_space<vmem>>) target_semaphore(%arg11 : memref<!tpu.dma_semaphore, #tpu.memory_space<semaphore_mem>>)
    %broadcast_in_dim3A = arith.constant 0 : i32
    %broadcast_in_dim3A_36 = vector.broadcast %broadcast_in_dim3A : i32 to vector<16xi32>
    %scan3A = arith.constant 0 : i32
    %scan3A_37 = arith.constant 3 : i32
    %scan3A_38 = arith.addi %scan3A, %scan3A_37 : i32
    %scan3A_39 = arith.constant 1 : i32
    %scan3A_40:4 = scf.for %scan3A_68 = %scan3A to %scan3A_38 step %scan3A_39 iter_args(%scan3A_69 = %broadcast_in_dim3A_36, %scan3A_70 = %broadcast_in_dim3A_36, %scan3A_71 = %broadcast_in_dim3A_36, %scan3A_72 = %broadcast_in_dim3A_36) -> (vector<16xi32>, vector<16xi32>, vector<16xi32>, vector<16xi32>)  : i32 {
      %mul3A_73 = arith.constant 2 : i32
      %mul3A_74 = arith.muli %mul3A_73, %scan3A_68 : i32
      %add3A_75 = arith.constant 0 : i32
      %add3A_76 = arith.addi %mul3A_74, %add3A_75 : i32
      %div3A_77 = arith.constant 512 : i32
      %div3A_78 = arith.divsi %mul3A_2, %div3A_77 : i32
      %dma_wait3A_79 = arith.constant 0 : i32
      %dma_wait3A_80 = arith.constant 0 : i32
      %dma_wait3A_81 = tpu.memref_slice %arg2[%div3A_78, %dma_wait3A_79, %dma_wait3A_80] : memref<32x512x512xf32, #tpu.memory_space<hbm>> -> memref<1x32x512xf32, #tpu.memory_space<hbm>>
      %dma_wait3A_82 = tpu.memref_squeeze %dma_wait3A_81 : memref<1x32x512xf32, #tpu.memory_space<hbm>> -> memref<32x512xf32, #tpu.memory_space<hbm>>
      %dma_wait3A_83 = arith.constant 0 : i32
      %dma_wait3A_84 = arith.constant 0 : i32
      %dma_wait3A_85 = tpu.memref_slice %arg2[%div3A_78, %dma_wait3A_83, %dma_wait3A_84] : memref<32x512x512xf32, #tpu.memory_space<hbm>> -> memref<1x32x512xf32, #tpu.memory_space<hbm>>
      %dma_wait3A_86 = tpu.memref_squeeze %dma_wait3A_85 : memref<1x32x512xf32, #tpu.memory_space<hbm>> -> memref<32x512xf32, #tpu.memory_space<hbm>>
      tpu.wait_dma2 semaphore(%arg10 : memref<!tpu.dma_semaphore, #tpu.memory_space<semaphore_mem>>) src(%dma_wait3A_86 : memref<32x512xf32, #tpu.memory_space<hbm>>) dst(%arg5 : memref<32x512xf32, #tpu.memory_space<vmem>>)
      %dma_wait3A_87 = arith.constant 0 : i32
      %dma_wait3A_88 = arith.constant 0 : i32
      %dma_wait3A_89 = tpu.memref_slice %arg3[%div3A_78, %dma_wait3A_87, %dma_wait3A_88] : memref<32x512x512xf32, #tpu.memory_space<hbm>> -> memref<1x32x512xf32, #tpu.memory_space<hbm>>
      %dma_wait3A_90 = tpu.memref_squeeze %dma_wait3A_89 : memref<1x32x512xf32, #tpu.memory_space<hbm>> -> memref<32x512xf32, #tpu.memory_space<hbm>>
      %dma_wait3A_91 = arith.constant 0 : i32
      %dma_wait3A_92 = arith.constant 0 : i32
      %dma_wait3A_93 = tpu.memref_slice %arg3[%div3A_78, %dma_wait3A_91, %dma_wait3A_92] : memref<32x512x512xf32, #tpu.memory_space<hbm>> -> memref<1x32x512xf32, #tpu.memory_space<hbm>>
      %dma_wait3A_94 = tpu.memref_squeeze %dma_wait3A_93 : memref<1x32x512xf32, #tpu.memory_space<hbm>> -> memref<32x512xf32, #tpu.memory_space<hbm>>
      tpu.wait_dma2 semaphore(%arg10 : memref<!tpu.dma_semaphore, #tpu.memory_space<semaphore_mem>>) src(%dma_wait3A_94 : memref<32x512xf32, #tpu.memory_space<hbm>>) dst(%arg7 : memref<32x512xf32, #tpu.memory_space<vmem>>)
      %parallel_loop3A_95 = arith.constant 0 : i32
      %parallel_loop3A_96 = arith.constant 128 : i32
      %parallel_loop3A_97 = arith.constant 1 : i32
      %parallel_loop3A_98:4 = scf.for %parallel_loop3A_136 = %parallel_loop3A_95 to %parallel_loop3A_96 step %parallel_loop3A_97 iter_args(%parallel_loop3A_137 = %scan3A_69, %parallel_loop3A_138 = %scan3A_70, %parallel_loop3A_139 = %scan3A_71, %parallel_loop3A_140 = %scan3A_72) -> (vector<16xi32>, vector<16xi32>, vector<16xi32>, vector<16xi32>)  : i32 {
        %parallel_loop3A_141 = arith.constant 2 : i32
        %parallel_loop3A_142 = arith.shrui %parallel_loop3A_136, %parallel_loop3A_141 : i32
        %parallel_loop3A_143 = arith.constant 3 : i32
        %parallel_loop3A_144 = arith.andi %parallel_loop3A_136, %parallel_loop3A_143 : i32
        %parallel_loop3A_145 = arith.constant 128 : i32
        %parallel_loop3A_146 = arith.muli %parallel_loop3A_144, %parallel_loop3A_145 : i32
        %parallel_loop3A_147 = tpu.assume_multiple %parallel_loop3A_146, 128 : i32
        %parallel_loop3A_148 = arith.constant 0 : i32
        %parallel_loop3A_149 = arith.addi %parallel_loop3A_147, %parallel_loop3A_148 : i32
        %parallel_loop3A_150 = arith.index_cast %parallel_loop3A_142 : i32 to index
        %parallel_loop3A_151 = arith.index_cast %parallel_loop3A_149 : i32 to index
        %parallel_loop3A_152 = tpu.vector_load %arg5[%parallel_loop3A_150, %parallel_loop3A_151] {strides = array<i32>} : memref<32x512xf32, #tpu.memory_space<vmem>>, vector<1x16xf32>,
        %parallel_loop3A_153 = vector.shape_cast %parallel_loop3A_152 : vector<1x16xf32> to vector<16xf32>
        %parallel_loop3A_154 = arith.constant 0 : i32
        %parallel_loop3A_155 = arith.addi %parallel_loop3A_147, %parallel_loop3A_154 : i32
        %parallel_loop3A_156 = arith.index_cast %parallel_loop3A_142 : i32 to index
        %parallel_loop3A_157 = arith.index_cast %parallel_loop3A_155 : i32 to index
        %parallel_loop3A_158 = tpu.vector_load %arg7[%parallel_loop3A_156, %parallel_loop3A_157] {strides = array<i32>} : memref<32x512xf32, #tpu.memory_space<vmem>>, vector<1x16xf32>,
        %parallel_loop3A_159 = vector.shape_cast %parallel_loop3A_158 : vector<1x16xf32> to vector<16xf32>
        %parallel_loop3A_160 = arith.constant 1.250000e+00 : f32
        %parallel_loop3A_161 = vector.broadcast %parallel_loop3A_160 : f32 to vector<16xf32>
        %parallel_loop3A_162 = arith.mulf %parallel_loop3A_161, %parallel_loop3A_159 : vector<16xf32>
        %parallel_loop3A_163 = arith.cmpf olt, %parallel_loop3A_153, %parallel_loop3A_162 : vector<16xf32>
        %parallel_loop3A_164 = arith.constant 1.250000e+00 : f32
        %parallel_loop3A_165 = vector.broadcast %parallel_loop3A_164 : f32 to vector<16xf32>
        %parallel_loop3A_166 = arith.mulf %parallel_loop3A_165, %parallel_loop3A_153 : vector<16xf32>
        %parallel_loop3A_167 = arith.cmpf olt, %parallel_loop3A_159, %parallel_loop3A_166 : vector<16xf32>
        %parallel_loop3A_168 = arith.andi %parallel_loop3A_163, %parallel_loop3A_167 : vector<16xi1>
        %parallel_loop3A_169 = arith.constant 0.000000e+00 : f32
        %parallel_loop3A_170 = vector.broadcast %parallel_loop3A_169 : f32 to vector<16xf32>
        %parallel_loop3A_171 = arith.cmpf ogt, %parallel_loop3A_159, %parallel_loop3A_170 : vector<16xf32>
        %parallel_loop3A_172 = arith.constant 65536 : i32
        %parallel_loop3A_173 = arith.constant 0 : i32
        %parallel_loop3A_174 = vector.broadcast %parallel_loop3A_172 : i32 to vector<16xi32>
        %parallel_loop3A_175 = vector.broadcast %parallel_loop3A_173 : i32 to vector<16xi32>
        %parallel_loop3A_176 = arith.select %parallel_loop3A_171, %parallel_loop3A_174, %parallel_loop3A_175 : vector<16xi1>, vector<16xi32>
        %parallel_loop3A_177 = arith.constant 65537 : i32
        %parallel_loop3A_178 = vector.broadcast %parallel_loop3A_177 : i32 to vector<16xi32>
        %parallel_loop3A_179 = arith.select %parallel_loop3A_168, %parallel_loop3A_178, %parallel_loop3A_176 : vector<16xi1>, vector<16xi32>
        %parallel_loop3A_180 = arith.addi %parallel_loop3A_137, %parallel_loop3A_179 : vector<16xi32>
        %parallel_loop3A_181 = arith.constant 16 : i32
        %parallel_loop3A_182 = arith.addi %parallel_loop3A_147, %parallel_loop3A_181 : i32
        %parallel_loop3A_183 = arith.index_cast %parallel_loop3A_142 : i32 to index
        %parallel_loop3A_184 = arith.index_cast %parallel_loop3A_182 : i32 to index
        %parallel_loop3A_185 = tpu.vector_load %arg5[%parallel_loop3A_183, %parallel_loop3A_184] {strides = array<i32>} : memref<32x512xf32, #tpu.memory_space<vmem>>, vector<1x16xf32>,
        %parallel_loop3A_186 = vector.shape_cast %parallel_loop3A_185 : vector<1x16xf32> to vector<16xf32>
        %parallel_loop3A_187 = arith.constant 16 : i32
        %parallel_loop3A_188 = arith.addi %parallel_loop3A_147, %parallel_loop3A_187 : i32
        %parallel_loop3A_189 = arith.index_cast %parallel_loop3A_142 : i32 to index
        %parallel_loop3A_190 = arith.index_cast %parallel_loop3A_188 : i32 to index
        %parallel_loop3A_191 = tpu.vector_load %arg7[%parallel_loop3A_189, %parallel_loop3A_190] {strides = array<i32>} : memref<32x512xf32, #tpu.memory_space<vmem>>, vector<1x16xf32>,
        %parallel_loop3A_192 = vector.shape_cast %parallel_loop3A_191 : vector<1x16xf32> to vector<16xf32>
        %parallel_loop3A_193 = arith.constant 1.250000e+00 : f32
        %parallel_loop3A_194 = vector.broadcast %parallel_loop3A_193 : f32 to vector<16xf32>
        %parallel_loop3A_195 = arith.mulf %parallel_loop3A_194, %parallel_loop3A_192 : vector<16xf32>
        %parallel_loop3A_196 = arith.cmpf olt, %parallel_loop3A_186, %parallel_loop3A_195 : vector<16xf32>
        %parallel_loop3A_197 = arith.constant 1.250000e+00 : f32
        %parallel_loop3A_198 = vector.broadcast %parallel_loop3A_197 : f32 to vector<16xf32>
        %parallel_loop3A_199 = arith.mulf %parallel_loop3A_198, %parallel_loop3A_186 : vector<16xf32>
        %parallel_loop3A_200 = arith.cmpf olt, %parallel_loop3A_192, %parallel_loop3A_199 : vector<16xf32>
        %parallel_loop3A_201 = arith.andi %parallel_loop3A_196, %parallel_loop3A_200 : vector<16xi1>
        %parallel_loop3A_202 = arith.constant 0.000000e+00 : f32
        %parallel_loop3A_203 = vector.broadcast %parallel_loop3A_202 : f32 to vector<16xf32>
        %parallel_loop3A_204 = arith.cmpf ogt, %parallel_loop3A_192, %parallel_loop3A_203 : vector<16xf32>
        %parallel_loop3A_205 = arith.constant 65536 : i32
        %parallel_loop3A_206 = arith.constant 0 : i32
        %parallel_loop3A_207 = vector.broadcast %parallel_loop3A_205 : i32 to vector<16xi32>
        %parallel_loop3A_208 = vector.broadcast %parallel_loop3A_206 : i32 to vector<16xi32>
        %parallel_loop3A_209 = arith.select %parallel_loop3A_204, %parallel_loop3A_207, %parallel_loop3A_208 : vector<16xi1>, vector<16xi32>
        %parallel_loop3A_210 = arith.constant 65537 : i32
        %parallel_loop3A_211 = vector.broadcast %parallel_loop3A_210 : i32 to vector<16xi32>
        %parallel_loop3A_212 = arith.select %parallel_loop3A_201, %parallel_loop3A_211, %parallel_loop3A_209 : vector<16xi1>, vector<16xi32>
        %parallel_loop3A_213 = arith.addi %parallel_loop3A_138, %parallel_loop3A_212 : vector<16xi32>
        %parallel_loop3A_214 = arith.constant 32 : i32
        %parallel_loop3A_215 = arith.addi %parallel_loop3A_147, %parallel_loop3A_214 : i32
        %parallel_loop3A_216 = arith.index_cast %parallel_loop3A_142 : i32 to index
        %parallel_loop3A_217 = arith.index_cast %parallel_loop3A_215 : i32 to index
        %parallel_loop3A_218 = tpu.vector_load %arg5[%parallel_loop3A_216, %parallel_loop3A_217] {strides = array<i32>} : memref<32x512xf32, #tpu.memory_space<vmem>>, vector<1x16xf32>,
        %parallel_loop3A_219 = vector.shape_cast %parallel_loop3A_218 : vector<1x16xf32> to vector<16xf32>
        %parallel_loop3A_220 = arith.constant 32 : i32
        %parallel_loop3A_221 = arith.addi %parallel_loop3A_147, %parallel_loop3A_220 : i32
        %parallel_loop3A_222 = arith.index_cast %parallel_loop3A_142 : i32 to index
        %parallel_loop3A_223 = arith.index_cast %parallel_loop3A_221 : i32 to index
        %parallel_loop3A_224 = tpu.vector_load %arg7[%parallel_loop3A_222, %parallel_loop3A_223] {strides = array<i32>} : memref<32x512xf32, #tpu.memory_space<vmem>>, vector<1x16xf32>,
        %parallel_loop3A_225 = vector.shape_cast %parallel_loop3A_224 : vector<1x16xf32> to vector<16xf32>
        %parallel_loop3A_226 = arith.constant 1.250000e+00 : f32
        %parallel_loop3A_227 = vector.broadcast %parallel_loop3A_226 : f32 to vector<16xf32>
        %parallel_loop3A_228 = arith.mulf %parallel_loop3A_227, %parallel_loop3A_225 : vector<16xf32>
        %parallel_loop3A_229 = arith.cmpf olt, %parallel_loop3A_219, %parallel_loop3A_228 : vector<16xf32>
        %parallel_loop3A_230 = arith.constant 1.250000e+00 : f32
        %parallel_loop3A_231 = vector.broadcast %parallel_loop3A_230 : f32 to vector<16xf32>
        %parallel_loop3A_232 = arith.mulf %parallel_loop3A_231, %parallel_loop3A_219 : vector<16xf32>
        %parallel_loop3A_233 = arith.cmpf olt, %parallel_loop3A_225, %parallel_loop3A_232 : vector<16xf32>
        %parallel_loop3A_234 = arith.andi %parallel_loop3A_229, %parallel_loop3A_233 : vector<16xi1>
        %parallel_loop3A_235 = arith.constant 0.000000e+00 : f32
        %parallel_loop3A_236 = vector.broadcast %parallel_loop3A_235 : f32 to vector<16xf32>
        %parallel_loop3A_237 = arith.cmpf ogt, %parallel_loop3A_225, %parallel_loop3A_236 : vector<16xf32>
        %parallel_loop3A_238 = arith.constant 65536 : i32
        %parallel_loop3A_239 = arith.constant 0 : i32
        %parallel_loop3A_240 = vector.broadcast %parallel_loop3A_238 : i32 to vector<16xi32>
        %parallel_loop3A_241 = vector.broadcast %parallel_loop3A_239 : i32 to vector<16xi32>
        %parallel_loop3A_242 = arith.select %parallel_loop3A_237, %parallel_loop3A_240, %parallel_loop3A_241 : vector<16xi1>, vector<16xi32>
        %parallel_loop3A_243 = arith.constant 65537 : i32
        %parallel_loop3A_244 = vector.broadcast %parallel_loop3A_243 : i32 to vector<16xi32>
        %parallel_loop3A_245 = arith.select %parallel_loop3A_234, %parallel_loop3A_244, %parallel_loop3A_242 : vector<16xi1>, vector<16xi32>
        %parallel_loop3A_246 = arith.addi %parallel_loop3A_139, %parallel_loop3A_245 : vector<16xi32>
        %parallel_loop3A_247 = arith.constant 48 : i32
        %parallel_loop3A_248 = arith.addi %parallel_loop3A_147, %parallel_loop3A_247 : i32
        %parallel_loop3A_249 = arith.index_cast %parallel_loop3A_142 : i32 to index
        %parallel_loop3A_250 = arith.index_cast %parallel_loop3A_248 : i32 to index
        %parallel_loop3A_251 = tpu.vector_load %arg5[%parallel_loop3A_249, %parallel_loop3A_250] {strides = array<i32>} : memref<32x512xf32, #tpu.memory_space<vmem>>, vector<1x16xf32>,
        %parallel_loop3A_252 = vector.shape_cast %parallel_loop3A_251 : vector<1x16xf32> to vector<16xf32>
        %parallel_loop3A_253 = arith.constant 48 : i32
        %parallel_loop3A_254 = arith.addi %parallel_loop3A_147, %parallel_loop3A_253 : i32
        %parallel_loop3A_255 = arith.index_cast %parallel_loop3A_142 : i32 to index
        %parallel_loop3A_256 = arith.index_cast %parallel_loop3A_254 : i32 to index
        %parallel_loop3A_257 = tpu.vector_load %arg7[%parallel_loop3A_255, %parallel_loop3A_256] {strides = array<i32>} : memref<32x512xf32, #tpu.memory_space<vmem>>, vector<1x16xf32>,
        %parallel_loop3A_258 = vector.shape_cast %parallel_loop3A_257 : vector<1x16xf32> to vector<16xf32>
        %parallel_loop3A_259 = arith.constant 1.250000e+00 : f32
        %parallel_loop3A_260 = vector.broadcast %parallel_loop3A_259 : f32 to vector<16xf32>
        %parallel_loop3A_261 = arith.mulf %parallel_loop3A_260, %parallel_loop3A_258 : vector<16xf32>
        %parallel_loop3A_262 = arith.cmpf olt, %parallel_loop3A_252, %parallel_loop3A_261 : vector<16xf32>
        %parallel_loop3A_263 = arith.constant 1.250000e+00 : f32
        %parallel_loop3A_264 = vector.broadcast %parallel_loop3A_263 : f32 to vector<16xf32>
        %parallel_loop3A_265 = arith.mulf %parallel_loop3A_264, %parallel_loop3A_252 : vector<16xf32>
        %parallel_loop3A_266 = arith.cmpf olt, %parallel_loop3A_258, %parallel_loop3A_265 : vector<16xf32>
        %parallel_loop3A_267 = arith.andi %parallel_loop3A_262, %parallel_loop3A_266 : vector<16xi1>
        %parallel_loop3A_268 = arith.constant 0.000000e+00 : f32
        %parallel_loop3A_269 = vector.broadcast %parallel_loop3A_268 : f32 to vector<16xf32>
        %parallel_loop3A_270 = arith.cmpf ogt, %parallel_loop3A_258, %parallel_loop3A_269 : vector<16xf32>
        %parallel_loop3A_271 = arith.constant 65536 : i32
        %parallel_loop3A_272 = arith.constant 0 : i32
        %parallel_loop3A_273 = vector.broadcast %parallel_loop3A_271 : i32 to vector<16xi32>
        %parallel_loop3A_274 = vector.broadcast %parallel_loop3A_272 : i32 to vector<16xi32>
        %parallel_loop3A_275 = arith.select %parallel_loop3A_270, %parallel_loop3A_273, %parallel_loop3A_274 : vector<16xi1>, vector<16xi32>
        %parallel_loop3A_276 = arith.constant 65537 : i32
        %parallel_loop3A_277 = vector.broadcast %parallel_loop3A_276 : i32 to vector<16xi32>
        %parallel_loop3A_278 = arith.select %parallel_loop3A_267, %parallel_loop3A_277, %parallel_loop3A_275 : vector<16xi1>, vector<16xi32>
        %parallel_loop3A_279 = arith.addi %parallel_loop3A_140, %parallel_loop3A_278 : vector<16xi32>
        %parallel_loop3A_280 = arith.constant 64 : i32
        %parallel_loop3A_281 = arith.addi %parallel_loop3A_147, %parallel_loop3A_280 : i32
        %parallel_loop3A_282 = arith.index_cast %parallel_loop3A_142 : i32 to index
        %parallel_loop3A_283 = arith.index_cast %parallel_loop3A_281 : i32 to index
        %parallel_loop3A_284 = tpu.vector_load %arg5[%parallel_loop3A_282, %parallel_loop3A_283] {strides = array<i32>} : memref<32x512xf32, #tpu.memory_space<vmem>>, vector<1x16xf32>,
        %parallel_loop3A_285 = vector.shape_cast %parallel_loop3A_284 : vector<1x16xf32> to vector<16xf32>
        %parallel_loop3A_286 = arith.constant 64 : i32
        %parallel_loop3A_287 = arith.addi %parallel_loop3A_147, %parallel_loop3A_286 : i32
        %parallel_loop3A_288 = arith.index_cast %parallel_loop3A_142 : i32 to index
        %parallel_loop3A_289 = arith.index_cast %parallel_loop3A_287 : i32 to index
        %parallel_loop3A_290 = tpu.vector_load %arg7[%parallel_loop3A_288, %parallel_loop3A_289] {strides = array<i32>} : memref<32x512xf32, #tpu.memory_space<vmem>>, vector<1x16xf32>,
        %parallel_loop3A_291 = vector.shape_cast %parallel_loop3A_290 : vector<1x16xf32> to vector<16xf32>
        %parallel_loop3A_292 = arith.constant 1.250000e+00 : f32
        %parallel_loop3A_293 = vector.broadcast %parallel_loop3A_292 : f32 to vector<16xf32>
        %parallel_loop3A_294 = arith.mulf %parallel_loop3A_293, %parallel_loop3A_291 : vector<16xf32>
        %parallel_loop3A_295 = arith.cmpf olt, %parallel_loop3A_285, %parallel_loop3A_294 : vector<16xf32>
        %parallel_loop3A_296 = arith.constant 1.250000e+00 : f32
        %parallel_loop3A_297 = vector.broadcast %parallel_loop3A_296 : f32 to vector<16xf32>
        %parallel_loop3A_298 = arith.mulf %parallel_loop3A_297, %parallel_loop3A_285 : vector<16xf32>
        %parallel_loop3A_299 = arith.cmpf olt, %parallel_loop3A_291, %parallel_loop3A_298 : vector<16xf32>
        %parallel_loop3A_300 = arith.andi %parallel_loop3A_295, %parallel_loop3A_299 : vector<16xi1>
        %parallel_loop3A_301 = arith.constant 0.000000e+00 : f32
        %parallel_loop3A_302 = vector.broadcast %parallel_loop3A_301 : f32 to vector<16xf32>
        %parallel_loop3A_303 = arith.cmpf ogt, %parallel_loop3A_291, %parallel_loop3A_302 : vector<16xf32>
        %parallel_loop3A_304 = arith.constant 65536 : i32
        %parallel_loop3A_305 = arith.constant 0 : i32
        %parallel_loop3A_306 = vector.broadcast %parallel_loop3A_304 : i32 to vector<16xi32>
        %parallel_loop3A_307 = vector.broadcast %parallel_loop3A_305 : i32 to vector<16xi32>
        %parallel_loop3A_308 = arith.select %parallel_loop3A_303, %parallel_loop3A_306, %parallel_loop3A_307 : vector<16xi1>, vector<16xi32>
        %parallel_loop3A_309 = arith.constant 65537 : i32
        %parallel_loop3A_310 = vector.broadcast %parallel_loop3A_309 : i32 to vector<16xi32>
        %parallel_loop3A_311 = arith.select %parallel_loop3A_300, %parallel_loop3A_310, %parallel_loop3A_308 : vector<16xi1>, vector<16xi32>
        %parallel_loop3A_312 = arith.addi %parallel_loop3A_180, %parallel_loop3A_311 : vector<16xi32>
        %parallel_loop3A_313 = arith.constant 80 : i32
        %parallel_loop3A_314 = arith.addi %parallel_loop3A_147, %parallel_loop3A_313 : i32
        %parallel_loop3A_315 = arith.index_cast %parallel_loop3A_142 : i32 to index
        %parallel_loop3A_316 = arith.index_cast %parallel_loop3A_314 : i32 to index
        %parallel_loop3A_317 = tpu.vector_load %arg5[%parallel_loop3A_315, %parallel_loop3A_316] {strides = array<i32>} : memref<32x512xf32, #tpu.memory_space<vmem>>, vector<1x16xf32>,
        %parallel_loop3A_318 = vector.shape_cast %parallel_loop3A_317 : vector<1x16xf32> to vector<16xf32>
        %parallel_loop3A_319 = arith.constant 80 : i32
        %parallel_loop3A_320 = arith.addi %parallel_loop3A_147, %parallel_loop3A_319 : i32
        %parallel_loop3A_321 = arith.index_cast %parallel_loop3A_142 : i32 to index
        %parallel_loop3A_322 = arith.index_cast %parallel_loop3A_320 : i32 to index
        %parallel_loop3A_323 = tpu.vector_load %arg7[%parallel_loop3A_321, %parallel_loop3A_322] {strides = array<i32>} : memref<32x512xf32, #tpu.memory_space<vmem>>, vector<1x16xf32>,
        %parallel_loop3A_324 = vector.shape_cast %parallel_loop3A_323 : vector<1x16xf32> to vector<16xf32>
        %parallel_loop3A_325 = arith.constant 1.250000e+00 : f32
        %parallel_loop3A_326 = vector.broadcast %parallel_loop3A_325 : f32 to vector<16xf32>
        %parallel_loop3A_327 = arith.mulf %parallel_loop3A_326, %parallel_loop3A_324 : vector<16xf32>
        %parallel_loop3A_328 = arith.cmpf olt, %parallel_loop3A_318, %parallel_loop3A_327 : vector<16xf32>
        %parallel_loop3A_329 = arith.constant 1.250000e+00 : f32
        %parallel_loop3A_330 = vector.broadcast %parallel_loop3A_329 : f32 to vector<16xf32>
        %parallel_loop3A_331 = arith.mulf %parallel_loop3A_330, %parallel_loop3A_318 : vector<16xf32>
        %parallel_loop3A_332 = arith.cmpf olt, %parallel_loop3A_324, %parallel_loop3A_331 : vector<16xf32>
        %parallel_loop3A_333 = arith.andi %parallel_loop3A_328, %parallel_loop3A_332 : vector<16xi1>
        %parallel_loop3A_334 = arith.constant 0.000000e+00 : f32
        %parallel_loop3A_335 = vector.broadcast %parallel_loop3A_334 : f32 to vector<16xf32>
        %parallel_loop3A_336 = arith.cmpf ogt, %parallel_loop3A_324, %parallel_loop3A_335 : vector<16xf32>
        %parallel_loop3A_337 = arith.constant 65536 : i32
        %parallel_loop3A_338 = arith.constant 0 : i32
        %parallel_loop3A_339 = vector.broadcast %parallel_loop3A_337 : i32 to vector<16xi32>
        %parallel_loop3A_340 = vector.broadcast %parallel_loop3A_338 : i32 to vector<16xi32>
        %parallel_loop3A_341 = arith.select %parallel_loop3A_336, %parallel_loop3A_339, %parallel_loop3A_340 : vector<16xi1>, vector<16xi32>
        %parallel_loop3A_342 = arith.constant 65537 : i32
        %parallel_loop3A_343 = vector.broadcast %parallel_loop3A_342 : i32 to vector<16xi32>
        %parallel_loop3A_344 = arith.select %parallel_loop3A_333, %parallel_loop3A_343, %parallel_loop3A_341 : vector<16xi1>, vector<16xi32>
        %parallel_loop3A_345 = arith.addi %parallel_loop3A_213, %parallel_loop3A_344 : vector<16xi32>
        %parallel_loop3A_346 = arith.constant 96 : i32
        %parallel_loop3A_347 = arith.addi %parallel_loop3A_147, %parallel_loop3A_346 : i32
        %parallel_loop3A_348 = arith.index_cast %parallel_loop3A_142 : i32 to index
        %parallel_loop3A_349 = arith.index_cast %parallel_loop3A_347 : i32 to index
        %parallel_loop3A_350 = tpu.vector_load %arg5[%parallel_loop3A_348, %parallel_loop3A_349] {strides = array<i32>} : memref<32x512xf32, #tpu.memory_space<vmem>>, vector<1x16xf32>,
        %parallel_loop3A_351 = vector.shape_cast %parallel_loop3A_350 : vector<1x16xf32> to vector<16xf32>
        %parallel_loop3A_352 = arith.constant 96 : i32
        %parallel_loop3A_353 = arith.addi %parallel_loop3A_147, %parallel_loop3A_352 : i32
        %parallel_loop3A_354 = arith.index_cast %parallel_loop3A_142 : i32 to index
        %parallel_loop3A_355 = arith.index_cast %parallel_loop3A_353 : i32 to index
        %parallel_loop3A_356 = tpu.vector_load %arg7[%parallel_loop3A_354, %parallel_loop3A_355] {strides = array<i32>} : memref<32x512xf32, #tpu.memory_space<vmem>>, vector<1x16xf32>,
        %parallel_loop3A_357 = vector.shape_cast %parallel_loop3A_356 : vector<1x16xf32> to vector<16xf32>
        %parallel_loop3A_358 = arith.constant 1.250000e+00 : f32
        %parallel_loop3A_359 = vector.broadcast %parallel_loop3A_358 : f32 to vector<16xf32>
        %parallel_loop3A_360 = arith.mulf %parallel_loop3A_359, %parallel_loop3A_357 : vector<16xf32>
        %parallel_loop3A_361 = arith.cmpf olt, %parallel_loop3A_351, %parallel_loop3A_360 : vector<16xf32>
        %parallel_loop3A_362 = arith.constant 1.250000e+00 : f32
        %parallel_loop3A_363 = vector.broadcast %parallel_loop3A_362 : f32 to vector<16xf32>
        %parallel_loop3A_364 = arith.mulf %parallel_loop3A_363, %parallel_loop3A_351 : vector<16xf32>
        %parallel_loop3A_365 = arith.cmpf olt, %parallel_loop3A_357, %parallel_loop3A_364 : vector<16xf32>
        %parallel_loop3A_366 = arith.andi %parallel_loop3A_361, %parallel_loop3A_365 : vector<16xi1>
        %parallel_loop3A_367 = arith.constant 0.000000e+00 : f32
        %parallel_loop3A_368 = vector.broadcast %parallel_loop3A_367 : f32 to vector<16xf32>
        %parallel_loop3A_369 = arith.cmpf ogt, %parallel_loop3A_357, %parallel_loop3A_368 : vector<16xf32>
        %parallel_loop3A_370 = arith.constant 65536 : i32
        %parallel_loop3A_371 = arith.constant 0 : i32
        %parallel_loop3A_372 = vector.broadcast %parallel_loop3A_370 : i32 to vector<16xi32>
        %parallel_loop3A_373 = vector.broadcast %parallel_loop3A_371 : i32 to vector<16xi32>
        %parallel_loop3A_374 = arith.select %parallel_loop3A_369, %parallel_loop3A_372, %parallel_loop3A_373 : vector<16xi1>, vector<16xi32>
        %parallel_loop3A_375 = arith.constant 65537 : i32
        %parallel_loop3A_376 = vector.broadcast %parallel_loop3A_375 : i32 to vector<16xi32>
        %parallel_loop3A_377 = arith.select %parallel_loop3A_366, %parallel_loop3A_376, %parallel_loop3A_374 : vector<16xi1>, vector<16xi32>
        %parallel_loop3A_378 = arith.addi %parallel_loop3A_246, %parallel_loop3A_377 : vector<16xi32>
        %parallel_loop3A_379 = arith.constant 112 : i32
        %parallel_loop3A_380 = arith.addi %parallel_loop3A_147, %parallel_loop3A_379 : i32
        %parallel_loop3A_381 = arith.index_cast %parallel_loop3A_142 : i32 to index
        %parallel_loop3A_382 = arith.index_cast %parallel_loop3A_380 : i32 to index
        %parallel_loop3A_383 = tpu.vector_load %arg5[%parallel_loop3A_381, %parallel_loop3A_382] {strides = array<i32>} : memref<32x512xf32, #tpu.memory_space<vmem>>, vector<1x16xf32>,
        %parallel_loop3A_384 = vector.shape_cast %parallel_loop3A_383 : vector<1x16xf32> to vector<16xf32>
        %parallel_loop3A_385 = arith.constant 112 : i32
        %parallel_loop3A_386 = arith.addi %parallel_loop3A_147, %parallel_loop3A_385 : i32
        %parallel_loop3A_387 = arith.index_cast %parallel_loop3A_142 : i32 to index
        %parallel_loop3A_388 = arith.index_cast %parallel_loop3A_386 : i32 to index
        %parallel_loop3A_389 = tpu.vector_load %arg7[%parallel_loop3A_387, %parallel_loop3A_388] {strides = array<i32>} : memref<32x512xf32, #tpu.memory_space<vmem>>, vector<1x16xf32>,
        %parallel_loop3A_390 = vector.shape_cast %parallel_loop3A_389 : vector<1x16xf32> to vector<16xf32>
        %parallel_loop3A_391 = arith.constant 1.250000e+00 : f32
        %parallel_loop3A_392 = vector.broadcast %parallel_loop3A_391 : f32 to vector<16xf32>
        %parallel_loop3A_393 = arith.mulf %parallel_loop3A_392, %parallel_loop3A_390 : vector<16xf32>
        %parallel_loop3A_394 = arith.cmpf olt, %parallel_loop3A_384, %parallel_loop3A_393 : vector<16xf32>
        %parallel_loop3A_395 = arith.constant 1.250000e+00 : f32
        %parallel_loop3A_396 = vector.broadcast %parallel_loop3A_395 : f32 to vector<16xf32>
        %parallel_loop3A_397 = arith.mulf %parallel_loop3A_396, %parallel_loop3A_384 : vector<16xf32>
        %parallel_loop3A_398 = arith.cmpf olt, %parallel_loop3A_390, %parallel_loop3A_397 : vector<16xf32>
        %parallel_loop3A_399 = arith.andi %parallel_loop3A_394, %parallel_loop3A_398 : vector<16xi1>
        %parallel_loop3A_400 = arith.constant 0.000000e+00 : f32
        %parallel_loop3A_401 = vector.broadcast %parallel_loop3A_400 : f32 to vector<16xf32>
        %parallel_loop3A_402 = arith.cmpf ogt, %parallel_loop3A_390, %parallel_loop3A_401 : vector<16xf32>
        %parallel_loop3A_403 = arith.constant 65536 : i32
        %parallel_loop3A_404 = arith.constant 0 : i32
        %parallel_loop3A_405 = vector.broadcast %parallel_loop3A_403 : i32 to vector<16xi32>
        %parallel_loop3A_406 = vector.broadcast %parallel_loop3A_404 : i32 to vector<16xi32>
        %parallel_loop3A_407 = arith.select %parallel_loop3A_402, %parallel_loop3A_405, %parallel_loop3A_406 : vector<16xi1>, vector<16xi32>
        %parallel_loop3A_408 = arith.constant 65537 : i32
        %parallel_loop3A_409 = vector.broadcast %parallel_loop3A_408 : i32 to vector<16xi32>
        %parallel_loop3A_410 = arith.select %parallel_loop3A_399, %parallel_loop3A_409, %parallel_loop3A_407 : vector<16xi1>, vector<16xi32>
        %parallel_loop3A_411 = arith.addi %parallel_loop3A_279, %parallel_loop3A_410 : vector<16xi32>
        scf.yield %parallel_loop3A_312, %parallel_loop3A_345, %parallel_loop3A_378, %parallel_loop3A_411 : vector<16xi32>, vector<16xi32>, vector<16xi32>, vector<16xi32>
      } {sc.loop_unroll_factor = 1 : i64, sc.parallel_access}
      %add3A_99 = arith.constant 2 : i32
      %add3A_100 = arith.addi %add3A_76, %add3A_99 : i32
      %lt3A = arith.constant 7 : i32
      %lt3A_101 = arith.cmpi slt, %add3A_100, %lt3A : i32
      %convert_element_type3A = arith.extui %lt3A_101 : i1 to i32
      %cond3A = arith.constant 0 : i32
      %cond3A_102 = arith.cmpi ne, %convert_element_type3A, %cond3A : i32
      scf.if %cond3A_102 {
        %add3A_136 = arith.constant 2 : i32
        %add3A_137 = arith.addi %add3A_76, %add3A_136 : i32
        %mul3A_138 = arith.constant 32 : i32
        %mul3A_139 = arith.muli %add3A_137, %mul3A_138 : i32
        %add3A_140 = arith.addi %mul3A_2, %mul3A_139 : i32
        %div3A_141 = arith.constant 512 : i32
        %div3A_142 = arith.divsi %add3A_140, %div3A_141 : i32
        %rem3A_143 = arith.constant 512 : i32
        %rem3A_144 = arith.remsi %add3A_140, %rem3A_143 : i32
        %dma_start3A_145 = arith.constant 0 : i32
        %dma_start3A_146 = tpu.memref_slice %arg2[%div3A_142, %rem3A_144, %dma_start3A_145] : memref<32x512x512xf32, #tpu.memory_space<hbm>> -> memref<1x32x512xf32, #tpu.memory_space<hbm>>
        %dma_start3A_147 = tpu.memref_squeeze %dma_start3A_146 : memref<1x32x512xf32, #tpu.memory_space<hbm>> -> memref<32x512xf32, #tpu.memory_space<hbm>>
        %dma_start3A_148 = arith.constant 0 : i32
        %dma_start3A_149 = tpu.memref_slice %arg2[%div3A_142, %rem3A_144, %dma_start3A_148] : memref<32x512x512xf32, #tpu.memory_space<hbm>> -> memref<1x32x512xf32, #tpu.memory_space<hbm>>
        %dma_start3A_150 = tpu.memref_squeeze %dma_start3A_149 : memref<1x32x512xf32, #tpu.memory_space<hbm>> -> memref<32x512xf32, #tpu.memory_space<hbm>>
        tpu.enqueue_dma source(%dma_start3A_150 : memref<32x512xf32, #tpu.memory_space<hbm>>) target(%arg5 : memref<32x512xf32, #tpu.memory_space<vmem>>) target_semaphore(%arg10 : memref<!tpu.dma_semaphore, #tpu.memory_space<semaphore_mem>>)
        %dma_start3A_151 = arith.constant 0 : i32
        %dma_start3A_152 = tpu.memref_slice %arg3[%div3A_142, %rem3A_144, %dma_start3A_151] : memref<32x512x512xf32, #tpu.memory_space<hbm>> -> memref<1x32x512xf32, #tpu.memory_space<hbm>>
        %dma_start3A_153 = tpu.memref_squeeze %dma_start3A_152 : memref<1x32x512xf32, #tpu.memory_space<hbm>> -> memref<32x512xf32, #tpu.memory_space<hbm>>
        %dma_start3A_154 = arith.constant 0 : i32
        %dma_start3A_155 = tpu.memref_slice %arg3[%div3A_142, %rem3A_144, %dma_start3A_154] : memref<32x512x512xf32, #tpu.memory_space<hbm>> -> memref<1x32x512xf32, #tpu.memory_space<hbm>>
        %dma_start3A_156 = tpu.memref_squeeze %dma_start3A_155 : memref<1x32x512xf32, #tpu.memory_space<hbm>> -> memref<32x512xf32, #tpu.memory_space<hbm>>
        tpu.enqueue_dma source(%dma_start3A_156 : memref<32x512xf32, #tpu.memory_space<hbm>>) target(%arg7 : memref<32x512xf32, #tpu.memory_space<vmem>>) target_semaphore(%arg10 : memref<!tpu.dma_semaphore, #tpu.memory_space<semaphore_mem>>)
      } else {
      }
      %mul3A_103 = arith.constant 2 : i32
      %mul3A_104 = arith.muli %mul3A_103, %scan3A_68 : i32
      %add3A_105 = arith.constant 1 : i32
      %add3A_106 = arith.addi %mul3A_104, %add3A_105 : i32
      %div3A_107 = arith.constant 512 : i32
      %div3A_108 = arith.divsi %mul3A_2, %div3A_107 : i32
      %dma_wait3A_109 = arith.constant 0 : i32
      %dma_wait3A_110 = arith.constant 0 : i32
      %dma_wait3A_111 = tpu.memref_slice %arg2[%div3A_108, %dma_wait3A_109, %dma_wait3A_110] : memref<32x512x512xf32, #tpu.memory_space<hbm>> -> memref<1x32x512xf32, #tpu.memory_space<hbm>>
      %dma_wait3A_112 = tpu.memref_squeeze %dma_wait3A_111 : memref<1x32x512xf32, #tpu.memory_space<hbm>> -> memref<32x512xf32, #tpu.memory_space<hbm>>
      %dma_wait3A_113 = arith.constant 0 : i32
      %dma_wait3A_114 = arith.constant 0 : i32
      %dma_wait3A_115 = tpu.memref_slice %arg2[%div3A_108, %dma_wait3A_113, %dma_wait3A_114] : memref<32x512x512xf32, #tpu.memory_space<hbm>> -> memref<1x32x512xf32, #tpu.memory_space<hbm>>
      %dma_wait3A_116 = tpu.memref_squeeze %dma_wait3A_115 : memref<1x32x512xf32, #tpu.memory_space<hbm>> -> memref<32x512xf32, #tpu.memory_space<hbm>>
      tpu.wait_dma2 semaphore(%arg11 : memref<!tpu.dma_semaphore, #tpu.memory_space<semaphore_mem>>) src(%dma_wait3A_116 : memref<32x512xf32, #tpu.memory_space<hbm>>) dst(%arg6 : memref<32x512xf32, #tpu.memory_space<vmem>>)
      %dma_wait3A_117 = arith.constant 0 : i32
      %dma_wait3A_118 = arith.constant 0 : i32
      %dma_wait3A_119 = tpu.memref_slice %arg3[%div3A_108, %dma_wait3A_117, %dma_wait3A_118] : memref<32x512x512xf32, #tpu.memory_space<hbm>> -> memref<1x32x512xf32, #tpu.memory_space<hbm>>
      %dma_wait3A_120 = tpu.memref_squeeze %dma_wait3A_119 : memref<1x32x512xf32, #tpu.memory_space<hbm>> -> memref<32x512xf32, #tpu.memory_space<hbm>>
      %dma_wait3A_121 = arith.constant 0 : i32
      %dma_wait3A_122 = arith.constant 0 : i32
      %dma_wait3A_123 = tpu.memref_slice %arg3[%div3A_108, %dma_wait3A_121, %dma_wait3A_122] : memref<32x512x512xf32, #tpu.memory_space<hbm>> -> memref<1x32x512xf32, #tpu.memory_space<hbm>>
      %dma_wait3A_124 = tpu.memref_squeeze %dma_wait3A_123 : memref<1x32x512xf32, #tpu.memory_space<hbm>> -> memref<32x512xf32, #tpu.memory_space<hbm>>
      tpu.wait_dma2 semaphore(%arg11 : memref<!tpu.dma_semaphore, #tpu.memory_space<semaphore_mem>>) src(%dma_wait3A_124 : memref<32x512xf32, #tpu.memory_space<hbm>>) dst(%arg8 : memref<32x512xf32, #tpu.memory_space<vmem>>)
      %parallel_loop3A_125 = arith.constant 0 : i32
      %parallel_loop3A_126 = arith.constant 128 : i32
      %parallel_loop3A_127 = arith.constant 1 : i32
      %parallel_loop3A_128:4 = scf.for %parallel_loop3A_136 = %parallel_loop3A_125 to %parallel_loop3A_126 step %parallel_loop3A_127 iter_args(%parallel_loop3A_137 = %parallel_loop3A_98#0, %parallel_loop3A_138 = %parallel_loop3A_98#1, %parallel_loop3A_139 = %parallel_loop3A_98#2, %parallel_loop3A_140 = %parallel_loop3A_98#3) -> (vector<16xi32>, vector<16xi32>, vector<16xi32>, vector<16xi32>)  : i32 {
        %parallel_loop3A_141 = arith.constant 2 : i32
        %parallel_loop3A_142 = arith.shrui %parallel_loop3A_136, %parallel_loop3A_141 : i32
        %parallel_loop3A_143 = arith.constant 3 : i32
        %parallel_loop3A_144 = arith.andi %parallel_loop3A_136, %parallel_loop3A_143 : i32
        %parallel_loop3A_145 = arith.constant 128 : i32
        %parallel_loop3A_146 = arith.muli %parallel_loop3A_144, %parallel_loop3A_145 : i32
        %parallel_loop3A_147 = tpu.assume_multiple %parallel_loop3A_146, 128 : i32
        %parallel_loop3A_148 = arith.constant 0 : i32
        %parallel_loop3A_149 = arith.addi %parallel_loop3A_147, %parallel_loop3A_148 : i32
        %parallel_loop3A_150 = arith.index_cast %parallel_loop3A_142 : i32 to index
        %parallel_loop3A_151 = arith.index_cast %parallel_loop3A_149 : i32 to index
        %parallel_loop3A_152 = tpu.vector_load %arg6[%parallel_loop3A_150, %parallel_loop3A_151] {strides = array<i32>} : memref<32x512xf32, #tpu.memory_space<vmem>>, vector<1x16xf32>,
        %parallel_loop3A_153 = vector.shape_cast %parallel_loop3A_152 : vector<1x16xf32> to vector<16xf32>
        %parallel_loop3A_154 = arith.constant 0 : i32
        %parallel_loop3A_155 = arith.addi %parallel_loop3A_147, %parallel_loop3A_154 : i32
        %parallel_loop3A_156 = arith.index_cast %parallel_loop3A_142 : i32 to index
        %parallel_loop3A_157 = arith.index_cast %parallel_loop3A_155 : i32 to index
        %parallel_loop3A_158 = tpu.vector_load %arg8[%parallel_loop3A_156, %parallel_loop3A_157] {strides = array<i32>} : memref<32x512xf32, #tpu.memory_space<vmem>>, vector<1x16xf32>,
        %parallel_loop3A_159 = vector.shape_cast %parallel_loop3A_158 : vector<1x16xf32> to vector<16xf32>
        %parallel_loop3A_160 = arith.constant 1.250000e+00 : f32
        %parallel_loop3A_161 = vector.broadcast %parallel_loop3A_160 : f32 to vector<16xf32>
        %parallel_loop3A_162 = arith.mulf %parallel_loop3A_161, %parallel_loop3A_159 : vector<16xf32>
        %parallel_loop3A_163 = arith.cmpf olt, %parallel_loop3A_153, %parallel_loop3A_162 : vector<16xf32>
        %parallel_loop3A_164 = arith.constant 1.250000e+00 : f32
        %parallel_loop3A_165 = vector.broadcast %parallel_loop3A_164 : f32 to vector<16xf32>
        %parallel_loop3A_166 = arith.mulf %parallel_loop3A_165, %parallel_loop3A_153 : vector<16xf32>
        %parallel_loop3A_167 = arith.cmpf olt, %parallel_loop3A_159, %parallel_loop3A_166 : vector<16xf32>
        %parallel_loop3A_168 = arith.andi %parallel_loop3A_163, %parallel_loop3A_167 : vector<16xi1>
        %parallel_loop3A_169 = arith.constant 0.000000e+00 : f32
        %parallel_loop3A_170 = vector.broadcast %parallel_loop3A_169 : f32 to vector<16xf32>
        %parallel_loop3A_171 = arith.cmpf ogt, %parallel_loop3A_159, %parallel_loop3A_170 : vector<16xf32>
        %parallel_loop3A_172 = arith.constant 65536 : i32
        %parallel_loop3A_173 = arith.constant 0 : i32
        %parallel_loop3A_174 = vector.broadcast %parallel_loop3A_172 : i32 to vector<16xi32>
        %parallel_loop3A_175 = vector.broadcast %parallel_loop3A_173 : i32 to vector<16xi32>
        %parallel_loop3A_176 = arith.select %parallel_loop3A_171, %parallel_loop3A_174, %parallel_loop3A_175 : vector<16xi1>, vector<16xi32>
        %parallel_loop3A_177 = arith.constant 65537 : i32
        %parallel_loop3A_178 = vector.broadcast %parallel_loop3A_177 : i32 to vector<16xi32>
        %parallel_loop3A_179 = arith.select %parallel_loop3A_168, %parallel_loop3A_178, %parallel_loop3A_176 : vector<16xi1>, vector<16xi32>
        %parallel_loop3A_180 = arith.addi %parallel_loop3A_137, %parallel_loop3A_179 : vector<16xi32>
        %parallel_loop3A_181 = arith.constant 16 : i32
        %parallel_loop3A_182 = arith.addi %parallel_loop3A_147, %parallel_loop3A_181 : i32
        %parallel_loop3A_183 = arith.index_cast %parallel_loop3A_142 : i32 to index
        %parallel_loop3A_184 = arith.index_cast %parallel_loop3A_182 : i32 to index
        %parallel_loop3A_185 = tpu.vector_load %arg6[%parallel_loop3A_183, %parallel_loop3A_184] {strides = array<i32>} : memref<32x512xf32, #tpu.memory_space<vmem>>, vector<1x16xf32>,
        %parallel_loop3A_186 = vector.shape_cast %parallel_loop3A_185 : vector<1x16xf32> to vector<16xf32>
        %parallel_loop3A_187 = arith.constant 16 : i32
        %parallel_loop3A_188 = arith.addi %parallel_loop3A_147, %parallel_loop3A_187 : i32
        %parallel_loop3A_189 = arith.index_cast %parallel_loop3A_142 : i32 to index
        %parallel_loop3A_190 = arith.index_cast %parallel_loop3A_188 : i32 to index
        %parallel_loop3A_191 = tpu.vector_load %arg8[%parallel_loop3A_189, %parallel_loop3A_190] {strides = array<i32>} : memref<32x512xf32, #tpu.memory_space<vmem>>, vector<1x16xf32>,
        %parallel_loop3A_192 = vector.shape_cast %parallel_loop3A_191 : vector<1x16xf32> to vector<16xf32>
        %parallel_loop3A_193 = arith.constant 1.250000e+00 : f32
        %parallel_loop3A_194 = vector.broadcast %parallel_loop3A_193 : f32 to vector<16xf32>
        %parallel_loop3A_195 = arith.mulf %parallel_loop3A_194, %parallel_loop3A_192 : vector<16xf32>
        %parallel_loop3A_196 = arith.cmpf olt, %parallel_loop3A_186, %parallel_loop3A_195 : vector<16xf32>
        %parallel_loop3A_197 = arith.constant 1.250000e+00 : f32
        %parallel_loop3A_198 = vector.broadcast %parallel_loop3A_197 : f32 to vector<16xf32>
        %parallel_loop3A_199 = arith.mulf %parallel_loop3A_198, %parallel_loop3A_186 : vector<16xf32>
        %parallel_loop3A_200 = arith.cmpf olt, %parallel_loop3A_192, %parallel_loop3A_199 : vector<16xf32>
        %parallel_loop3A_201 = arith.andi %parallel_loop3A_196, %parallel_loop3A_200 : vector<16xi1>
        %parallel_loop3A_202 = arith.constant 0.000000e+00 : f32
        %parallel_loop3A_203 = vector.broadcast %parallel_loop3A_202 : f32 to vector<16xf32>
        %parallel_loop3A_204 = arith.cmpf ogt, %parallel_loop3A_192, %parallel_loop3A_203 : vector<16xf32>
        %parallel_loop3A_205 = arith.constant 65536 : i32
        %parallel_loop3A_206 = arith.constant 0 : i32
        %parallel_loop3A_207 = vector.broadcast %parallel_loop3A_205 : i32 to vector<16xi32>
        %parallel_loop3A_208 = vector.broadcast %parallel_loop3A_206 : i32 to vector<16xi32>
        %parallel_loop3A_209 = arith.select %parallel_loop3A_204, %parallel_loop3A_207, %parallel_loop3A_208 : vector<16xi1>, vector<16xi32>
        %parallel_loop3A_210 = arith.constant 65537 : i32
        %parallel_loop3A_211 = vector.broadcast %parallel_loop3A_210 : i32 to vector<16xi32>
        %parallel_loop3A_212 = arith.select %parallel_loop3A_201, %parallel_loop3A_211, %parallel_loop3A_209 : vector<16xi1>, vector<16xi32>
        %parallel_loop3A_213 = arith.addi %parallel_loop3A_138, %parallel_loop3A_212 : vector<16xi32>
        %parallel_loop3A_214 = arith.constant 32 : i32
        %parallel_loop3A_215 = arith.addi %parallel_loop3A_147, %parallel_loop3A_214 : i32
        %parallel_loop3A_216 = arith.index_cast %parallel_loop3A_142 : i32 to index
        %parallel_loop3A_217 = arith.index_cast %parallel_loop3A_215 : i32 to index
        %parallel_loop3A_218 = tpu.vector_load %arg6[%parallel_loop3A_216, %parallel_loop3A_217] {strides = array<i32>} : memref<32x512xf32, #tpu.memory_space<vmem>>, vector<1x16xf32>,
        %parallel_loop3A_219 = vector.shape_cast %parallel_loop3A_218 : vector<1x16xf32> to vector<16xf32>
        %parallel_loop3A_220 = arith.constant 32 : i32
        %parallel_loop3A_221 = arith.addi %parallel_loop3A_147, %parallel_loop3A_220 : i32
        %parallel_loop3A_222 = arith.index_cast %parallel_loop3A_142 : i32 to index
        %parallel_loop3A_223 = arith.index_cast %parallel_loop3A_221 : i32 to index
        %parallel_loop3A_224 = tpu.vector_load %arg8[%parallel_loop3A_222, %parallel_loop3A_223] {strides = array<i32>} : memref<32x512xf32, #tpu.memory_space<vmem>>, vector<1x16xf32>,
        %parallel_loop3A_225 = vector.shape_cast %parallel_loop3A_224 : vector<1x16xf32> to vector<16xf32>
        %parallel_loop3A_226 = arith.constant 1.250000e+00 : f32
        %parallel_loop3A_227 = vector.broadcast %parallel_loop3A_226 : f32 to vector<16xf32>
        %parallel_loop3A_228 = arith.mulf %parallel_loop3A_227, %parallel_loop3A_225 : vector<16xf32>
        %parallel_loop3A_229 = arith.cmpf olt, %parallel_loop3A_219, %parallel_loop3A_228 : vector<16xf32>
        %parallel_loop3A_230 = arith.constant 1.250000e+00 : f32
        %parallel_loop3A_231 = vector.broadcast %parallel_loop3A_230 : f32 to vector<16xf32>
        %parallel_loop3A_232 = arith.mulf %parallel_loop3A_231, %parallel_loop3A_219 : vector<16xf32>
        %parallel_loop3A_233 = arith.cmpf olt, %parallel_loop3A_225, %parallel_loop3A_232 : vector<16xf32>
        %parallel_loop3A_234 = arith.andi %parallel_loop3A_229, %parallel_loop3A_233 : vector<16xi1>
        %parallel_loop3A_235 = arith.constant 0.000000e+00 : f32
        %parallel_loop3A_236 = vector.broadcast %parallel_loop3A_235 : f32 to vector<16xf32>
        %parallel_loop3A_237 = arith.cmpf ogt, %parallel_loop3A_225, %parallel_loop3A_236 : vector<16xf32>
        %parallel_loop3A_238 = arith.constant 65536 : i32
        %parallel_loop3A_239 = arith.constant 0 : i32
        %parallel_loop3A_240 = vector.broadcast %parallel_loop3A_238 : i32 to vector<16xi32>
        %parallel_loop3A_241 = vector.broadcast %parallel_loop3A_239 : i32 to vector<16xi32>
        %parallel_loop3A_242 = arith.select %parallel_loop3A_237, %parallel_loop3A_240, %parallel_loop3A_241 : vector<16xi1>, vector<16xi32>
        %parallel_loop3A_243 = arith.constant 65537 : i32
        %parallel_loop3A_244 = vector.broadcast %parallel_loop3A_243 : i32 to vector<16xi32>
        %parallel_loop3A_245 = arith.select %parallel_loop3A_234, %parallel_loop3A_244, %parallel_loop3A_242 : vector<16xi1>, vector<16xi32>
        %parallel_loop3A_246 = arith.addi %parallel_loop3A_139, %parallel_loop3A_245 : vector<16xi32>
        %parallel_loop3A_247 = arith.constant 48 : i32
        %parallel_loop3A_248 = arith.addi %parallel_loop3A_147, %parallel_loop3A_247 : i32
        %parallel_loop3A_249 = arith.index_cast %parallel_loop3A_142 : i32 to index
        %parallel_loop3A_250 = arith.index_cast %parallel_loop3A_248 : i32 to index
        %parallel_loop3A_251 = tpu.vector_load %arg6[%parallel_loop3A_249, %parallel_loop3A_250] {strides = array<i32>} : memref<32x512xf32, #tpu.memory_space<vmem>>, vector<1x16xf32>,
        %parallel_loop3A_252 = vector.shape_cast %parallel_loop3A_251 : vector<1x16xf32> to vector<16xf32>
        %parallel_loop3A_253 = arith.constant 48 : i32
        %parallel_loop3A_254 = arith.addi %parallel_loop3A_147, %parallel_loop3A_253 : i32
        %parallel_loop3A_255 = arith.index_cast %parallel_loop3A_142 : i32 to index
        %parallel_loop3A_256 = arith.index_cast %parallel_loop3A_254 : i32 to index
        %parallel_loop3A_257 = tpu.vector_load %arg8[%parallel_loop3A_255, %parallel_loop3A_256] {strides = array<i32>} : memref<32x512xf32, #tpu.memory_space<vmem>>, vector<1x16xf32>,
        %parallel_loop3A_258 = vector.shape_cast %parallel_loop3A_257 : vector<1x16xf32> to vector<16xf32>
        %parallel_loop3A_259 = arith.constant 1.250000e+00 : f32
        %parallel_loop3A_260 = vector.broadcast %parallel_loop3A_259 : f32 to vector<16xf32>
        %parallel_loop3A_261 = arith.mulf %parallel_loop3A_260, %parallel_loop3A_258 : vector<16xf32>
        %parallel_loop3A_262 = arith.cmpf olt, %parallel_loop3A_252, %parallel_loop3A_261 : vector<16xf32>
        %parallel_loop3A_263 = arith.constant 1.250000e+00 : f32
        %parallel_loop3A_264 = vector.broadcast %parallel_loop3A_263 : f32 to vector<16xf32>
        %parallel_loop3A_265 = arith.mulf %parallel_loop3A_264, %parallel_loop3A_252 : vector<16xf32>
        %parallel_loop3A_266 = arith.cmpf olt, %parallel_loop3A_258, %parallel_loop3A_265 : vector<16xf32>
        %parallel_loop3A_267 = arith.andi %parallel_loop3A_262, %parallel_loop3A_266 : vector<16xi1>
        %parallel_loop3A_268 = arith.constant 0.000000e+00 : f32
        %parallel_loop3A_269 = vector.broadcast %parallel_loop3A_268 : f32 to vector<16xf32>
        %parallel_loop3A_270 = arith.cmpf ogt, %parallel_loop3A_258, %parallel_loop3A_269 : vector<16xf32>
        %parallel_loop3A_271 = arith.constant 65536 : i32
        %parallel_loop3A_272 = arith.constant 0 : i32
        %parallel_loop3A_273 = vector.broadcast %parallel_loop3A_271 : i32 to vector<16xi32>
        %parallel_loop3A_274 = vector.broadcast %parallel_loop3A_272 : i32 to vector<16xi32>
        %parallel_loop3A_275 = arith.select %parallel_loop3A_270, %parallel_loop3A_273, %parallel_loop3A_274 : vector<16xi1>, vector<16xi32>
        %parallel_loop3A_276 = arith.constant 65537 : i32
        %parallel_loop3A_277 = vector.broadcast %parallel_loop3A_276 : i32 to vector<16xi32>
        %parallel_loop3A_278 = arith.select %parallel_loop3A_267, %parallel_loop3A_277, %parallel_loop3A_275 : vector<16xi1>, vector<16xi32>
        %parallel_loop3A_279 = arith.addi %parallel_loop3A_140, %parallel_loop3A_278 : vector<16xi32>
        %parallel_loop3A_280 = arith.constant 64 : i32
        %parallel_loop3A_281 = arith.addi %parallel_loop3A_147, %parallel_loop3A_280 : i32
        %parallel_loop3A_282 = arith.index_cast %parallel_loop3A_142 : i32 to index
        %parallel_loop3A_283 = arith.index_cast %parallel_loop3A_281 : i32 to index
        %parallel_loop3A_284 = tpu.vector_load %arg6[%parallel_loop3A_282, %parallel_loop3A_283] {strides = array<i32>} : memref<32x512xf32, #tpu.memory_space<vmem>>, vector<1x16xf32>,
        %parallel_loop3A_285 = vector.shape_cast %parallel_loop3A_284 : vector<1x16xf32> to vector<16xf32>
        %parallel_loop3A_286 = arith.constant 64 : i32
        %parallel_loop3A_287 = arith.addi %parallel_loop3A_147, %parallel_loop3A_286 : i32
        %parallel_loop3A_288 = arith.index_cast %parallel_loop3A_142 : i32 to index
        %parallel_loop3A_289 = arith.index_cast %parallel_loop3A_287 : i32 to index
        %parallel_loop3A_290 = tpu.vector_load %arg8[%parallel_loop3A_288, %parallel_loop3A_289] {strides = array<i32>} : memref<32x512xf32, #tpu.memory_space<vmem>>, vector<1x16xf32>,
        %parallel_loop3A_291 = vector.shape_cast %parallel_loop3A_290 : vector<1x16xf32> to vector<16xf32>
        %parallel_loop3A_292 = arith.constant 1.250000e+00 : f32
        %parallel_loop3A_293 = vector.broadcast %parallel_loop3A_292 : f32 to vector<16xf32>
        %parallel_loop3A_294 = arith.mulf %parallel_loop3A_293, %parallel_loop3A_291 : vector<16xf32>
        %parallel_loop3A_295 = arith.cmpf olt, %parallel_loop3A_285, %parallel_loop3A_294 : vector<16xf32>
        %parallel_loop3A_296 = arith.constant 1.250000e+00 : f32
        %parallel_loop3A_297 = vector.broadcast %parallel_loop3A_296 : f32 to vector<16xf32>
        %parallel_loop3A_298 = arith.mulf %parallel_loop3A_297, %parallel_loop3A_285 : vector<16xf32>
        %parallel_loop3A_299 = arith.cmpf olt, %parallel_loop3A_291, %parallel_loop3A_298 : vector<16xf32>
        %parallel_loop3A_300 = arith.andi %parallel_loop3A_295, %parallel_loop3A_299 : vector<16xi1>
        %parallel_loop3A_301 = arith.constant 0.000000e+00 : f32
        %parallel_loop3A_302 = vector.broadcast %parallel_loop3A_301 : f32 to vector<16xf32>
        %parallel_loop3A_303 = arith.cmpf ogt, %parallel_loop3A_291, %parallel_loop3A_302 : vector<16xf32>
        %parallel_loop3A_304 = arith.constant 65536 : i32
        %parallel_loop3A_305 = arith.constant 0 : i32
        %parallel_loop3A_306 = vector.broadcast %parallel_loop3A_304 : i32 to vector<16xi32>
        %parallel_loop3A_307 = vector.broadcast %parallel_loop3A_305 : i32 to vector<16xi32>
        %parallel_loop3A_308 = arith.select %parallel_loop3A_303, %parallel_loop3A_306, %parallel_loop3A_307 : vector<16xi1>, vector<16xi32>
        %parallel_loop3A_309 = arith.constant 65537 : i32
        %parallel_loop3A_310 = vector.broadcast %parallel_loop3A_309 : i32 to vector<16xi32>
        %parallel_loop3A_311 = arith.select %parallel_loop3A_300, %parallel_loop3A_310, %parallel_loop3A_308 : vector<16xi1>, vector<16xi32>
        %parallel_loop3A_312 = arith.addi %parallel_loop3A_180, %parallel_loop3A_311 : vector<16xi32>
        %parallel_loop3A_313 = arith.constant 80 : i32
        %parallel_loop3A_314 = arith.addi %parallel_loop3A_147, %parallel_loop3A_313 : i32
        %parallel_loop3A_315 = arith.index_cast %parallel_loop3A_142 : i32 to index
        %parallel_loop3A_316 = arith.index_cast %parallel_loop3A_314 : i32 to index
        %parallel_loop3A_317 = tpu.vector_load %arg6[%parallel_loop3A_315, %parallel_loop3A_316] {strides = array<i32>} : memref<32x512xf32, #tpu.memory_space<vmem>>, vector<1x16xf32>,
        %parallel_loop3A_318 = vector.shape_cast %parallel_loop3A_317 : vector<1x16xf32> to vector<16xf32>
        %parallel_loop3A_319 = arith.constant 80 : i32
        %parallel_loop3A_320 = arith.addi %parallel_loop3A_147, %parallel_loop3A_319 : i32
        %parallel_loop3A_321 = arith.index_cast %parallel_loop3A_142 : i32 to index
        %parallel_loop3A_322 = arith.index_cast %parallel_loop3A_320 : i32 to index
        %parallel_loop3A_323 = tpu.vector_load %arg8[%parallel_loop3A_321, %parallel_loop3A_322] {strides = array<i32>} : memref<32x512xf32, #tpu.memory_space<vmem>>, vector<1x16xf32>,
        %parallel_loop3A_324 = vector.shape_cast %parallel_loop3A_323 : vector<1x16xf32> to vector<16xf32>
        %parallel_loop3A_325 = arith.constant 1.250000e+00 : f32
        %parallel_loop3A_326 = vector.broadcast %parallel_loop3A_325 : f32 to vector<16xf32>
        %parallel_loop3A_327 = arith.mulf %parallel_loop3A_326, %parallel_loop3A_324 : vector<16xf32>
        %parallel_loop3A_328 = arith.cmpf olt, %parallel_loop3A_318, %parallel_loop3A_327 : vector<16xf32>
        %parallel_loop3A_329 = arith.constant 1.250000e+00 : f32
        %parallel_loop3A_330 = vector.broadcast %parallel_loop3A_329 : f32 to vector<16xf32>
        %parallel_loop3A_331 = arith.mulf %parallel_loop3A_330, %parallel_loop3A_318 : vector<16xf32>
        %parallel_loop3A_332 = arith.cmpf olt, %parallel_loop3A_324, %parallel_loop3A_331 : vector<16xf32>
        %parallel_loop3A_333 = arith.andi %parallel_loop3A_328, %parallel_loop3A_332 : vector<16xi1>
        %parallel_loop3A_334 = arith.constant 0.000000e+00 : f32
        %parallel_loop3A_335 = vector.broadcast %parallel_loop3A_334 : f32 to vector<16xf32>
        %parallel_loop3A_336 = arith.cmpf ogt, %parallel_loop3A_324, %parallel_loop3A_335 : vector<16xf32>
        %parallel_loop3A_337 = arith.constant 65536 : i32
        %parallel_loop3A_338 = arith.constant 0 : i32
        %parallel_loop3A_339 = vector.broadcast %parallel_loop3A_337 : i32 to vector<16xi32>
        %parallel_loop3A_340 = vector.broadcast %parallel_loop3A_338 : i32 to vector<16xi32>
        %parallel_loop3A_341 = arith.select %parallel_loop3A_336, %parallel_loop3A_339, %parallel_loop3A_340 : vector<16xi1>, vector<16xi32>
        %parallel_loop3A_342 = arith.constant 65537 : i32
        %parallel_loop3A_343 = vector.broadcast %parallel_loop3A_342 : i32 to vector<16xi32>
        %parallel_loop3A_344 = arith.select %parallel_loop3A_333, %parallel_loop3A_343, %parallel_loop3A_341 : vector<16xi1>, vector<16xi32>
        %parallel_loop3A_345 = arith.addi %parallel_loop3A_213, %parallel_loop3A_344 : vector<16xi32>
        %parallel_loop3A_346 = arith.constant 96 : i32
        %parallel_loop3A_347 = arith.addi %parallel_loop3A_147, %parallel_loop3A_346 : i32
        %parallel_loop3A_348 = arith.index_cast %parallel_loop3A_142 : i32 to index
        %parallel_loop3A_349 = arith.index_cast %parallel_loop3A_347 : i32 to index
        %parallel_loop3A_350 = tpu.vector_load %arg6[%parallel_loop3A_348, %parallel_loop3A_349] {strides = array<i32>} : memref<32x512xf32, #tpu.memory_space<vmem>>, vector<1x16xf32>,
        %parallel_loop3A_351 = vector.shape_cast %parallel_loop3A_350 : vector<1x16xf32> to vector<16xf32>
        %parallel_loop3A_352 = arith.constant 96 : i32
        %parallel_loop3A_353 = arith.addi %parallel_loop3A_147, %parallel_loop3A_352 : i32
        %parallel_loop3A_354 = arith.index_cast %parallel_loop3A_142 : i32 to index
        %parallel_loop3A_355 = arith.index_cast %parallel_loop3A_353 : i32 to index
        %parallel_loop3A_356 = tpu.vector_load %arg8[%parallel_loop3A_354, %parallel_loop3A_355] {strides = array<i32>} : memref<32x512xf32, #tpu.memory_space<vmem>>, vector<1x16xf32>,
        %parallel_loop3A_357 = vector.shape_cast %parallel_loop3A_356 : vector<1x16xf32> to vector<16xf32>
        %parallel_loop3A_358 = arith.constant 1.250000e+00 : f32
        %parallel_loop3A_359 = vector.broadcast %parallel_loop3A_358 : f32 to vector<16xf32>
        %parallel_loop3A_360 = arith.mulf %parallel_loop3A_359, %parallel_loop3A_357 : vector<16xf32>
        %parallel_loop3A_361 = arith.cmpf olt, %parallel_loop3A_351, %parallel_loop3A_360 : vector<16xf32>
        %parallel_loop3A_362 = arith.constant 1.250000e+00 : f32
        %parallel_loop3A_363 = vector.broadcast %parallel_loop3A_362 : f32 to vector<16xf32>
        %parallel_loop3A_364 = arith.mulf %parallel_loop3A_363, %parallel_loop3A_351 : vector<16xf32>
        %parallel_loop3A_365 = arith.cmpf olt, %parallel_loop3A_357, %parallel_loop3A_364 : vector<16xf32>
        %parallel_loop3A_366 = arith.andi %parallel_loop3A_361, %parallel_loop3A_365 : vector<16xi1>
        %parallel_loop3A_367 = arith.constant 0.000000e+00 : f32
        %parallel_loop3A_368 = vector.broadcast %parallel_loop3A_367 : f32 to vector<16xf32>
        %parallel_loop3A_369 = arith.cmpf ogt, %parallel_loop3A_357, %parallel_loop3A_368 : vector<16xf32>
        %parallel_loop3A_370 = arith.constant 65536 : i32
        %parallel_loop3A_371 = arith.constant 0 : i32
        %parallel_loop3A_372 = vector.broadcast %parallel_loop3A_370 : i32 to vector<16xi32>
        %parallel_loop3A_373 = vector.broadcast %parallel_loop3A_371 : i32 to vector<16xi32>
        %parallel_loop3A_374 = arith.select %parallel_loop3A_369, %parallel_loop3A_372, %parallel_loop3A_373 : vector<16xi1>, vector<16xi32>
        %parallel_loop3A_375 = arith.constant 65537 : i32
        %parallel_loop3A_376 = vector.broadcast %parallel_loop3A_375 : i32 to vector<16xi32>
        %parallel_loop3A_377 = arith.select %parallel_loop3A_366, %parallel_loop3A_376, %parallel_loop3A_374 : vector<16xi1>, vector<16xi32>
        %parallel_loop3A_378 = arith.addi %parallel_loop3A_246, %parallel_loop3A_377 : vector<16xi32>
        %parallel_loop3A_379 = arith.constant 112 : i32
        %parallel_loop3A_380 = arith.addi %parallel_loop3A_147, %parallel_loop3A_379 : i32
        %parallel_loop3A_381 = arith.index_cast %parallel_loop3A_142 : i32 to index
        %parallel_loop3A_382 = arith.index_cast %parallel_loop3A_380 : i32 to index
        %parallel_loop3A_383 = tpu.vector_load %arg6[%parallel_loop3A_381, %parallel_loop3A_382] {strides = array<i32>} : memref<32x512xf32, #tpu.memory_space<vmem>>, vector<1x16xf32>,
        %parallel_loop3A_384 = vector.shape_cast %parallel_loop3A_383 : vector<1x16xf32> to vector<16xf32>
        %parallel_loop3A_385 = arith.constant 112 : i32
        %parallel_loop3A_386 = arith.addi %parallel_loop3A_147, %parallel_loop3A_385 : i32
        %parallel_loop3A_387 = arith.index_cast %parallel_loop3A_142 : i32 to index
        %parallel_loop3A_388 = arith.index_cast %parallel_loop3A_386 : i32 to index
        %parallel_loop3A_389 = tpu.vector_load %arg8[%parallel_loop3A_387, %parallel_loop3A_388] {strides = array<i32>} : memref<32x512xf32, #tpu.memory_space<vmem>>, vector<1x16xf32>,
        %parallel_loop3A_390 = vector.shape_cast %parallel_loop3A_389 : vector<1x16xf32> to vector<16xf32>
        %parallel_loop3A_391 = arith.constant 1.250000e+00 : f32
        %parallel_loop3A_392 = vector.broadcast %parallel_loop3A_391 : f32 to vector<16xf32>
        %parallel_loop3A_393 = arith.mulf %parallel_loop3A_392, %parallel_loop3A_390 : vector<16xf32>
        %parallel_loop3A_394 = arith.cmpf olt, %parallel_loop3A_384, %parallel_loop3A_393 : vector<16xf32>
        %parallel_loop3A_395 = arith.constant 1.250000e+00 : f32
        %parallel_loop3A_396 = vector.broadcast %parallel_loop3A_395 : f32 to vector<16xf32>
        %parallel_loop3A_397 = arith.mulf %parallel_loop3A_396, %parallel_loop3A_384 : vector<16xf32>
        %parallel_loop3A_398 = arith.cmpf olt, %parallel_loop3A_390, %parallel_loop3A_397 : vector<16xf32>
        %parallel_loop3A_399 = arith.andi %parallel_loop3A_394, %parallel_loop3A_398 : vector<16xi1>
        %parallel_loop3A_400 = arith.constant 0.000000e+00 : f32
        %parallel_loop3A_401 = vector.broadcast %parallel_loop3A_400 : f32 to vector<16xf32>
        %parallel_loop3A_402 = arith.cmpf ogt, %parallel_loop3A_390, %parallel_loop3A_401 : vector<16xf32>
        %parallel_loop3A_403 = arith.constant 65536 : i32
        %parallel_loop3A_404 = arith.constant 0 : i32
        %parallel_loop3A_405 = vector.broadcast %parallel_loop3A_403 : i32 to vector<16xi32>
        %parallel_loop3A_406 = vector.broadcast %parallel_loop3A_404 : i32 to vector<16xi32>
        %parallel_loop3A_407 = arith.select %parallel_loop3A_402, %parallel_loop3A_405, %parallel_loop3A_406 : vector<16xi1>, vector<16xi32>
        %parallel_loop3A_408 = arith.constant 65537 : i32
        %parallel_loop3A_409 = vector.broadcast %parallel_loop3A_408 : i32 to vector<16xi32>
        %parallel_loop3A_410 = arith.select %parallel_loop3A_399, %parallel_loop3A_409, %parallel_loop3A_407 : vector<16xi1>, vector<16xi32>
        %parallel_loop3A_411 = arith.addi %parallel_loop3A_279, %parallel_loop3A_410 : vector<16xi32>
        scf.yield %parallel_loop3A_312, %parallel_loop3A_345, %parallel_loop3A_378, %parallel_loop3A_411 : vector<16xi32>, vector<16xi32>, vector<16xi32>, vector<16xi32>
      } {sc.loop_unroll_factor = 1 : i64, sc.parallel_access}
      %add3A_129 = arith.constant 2 : i32
      %add3A_130 = arith.addi %add3A_106, %add3A_129 : i32
      %lt3A_131 = arith.constant 7 : i32
      %lt3A_132 = arith.cmpi slt, %add3A_130, %lt3A_131 : i32
      %convert_element_type3A_133 = arith.extui %lt3A_132 : i1 to i32
      %cond3A_134 = arith.constant 0 : i32
      %cond3A_135 = arith.cmpi ne, %convert_element_type3A_133, %cond3A_134 : i32
      scf.if %cond3A_135 {
        %add3A_136 = arith.constant 2 : i32
        %add3A_137 = arith.addi %add3A_106, %add3A_136 : i32
        %mul3A_138 = arith.constant 32 : i32
        %mul3A_139 = arith.muli %add3A_137, %mul3A_138 : i32
        %add3A_140 = arith.addi %mul3A_2, %mul3A_139 : i32
        %div3A_141 = arith.constant 512 : i32
        %div3A_142 = arith.divsi %add3A_140, %div3A_141 : i32
        %rem3A_143 = arith.constant 512 : i32
        %rem3A_144 = arith.remsi %add3A_140, %rem3A_143 : i32
        %dma_start3A_145 = arith.constant 0 : i32
        %dma_start3A_146 = tpu.memref_slice %arg2[%div3A_142, %rem3A_144, %dma_start3A_145] : memref<32x512x512xf32, #tpu.memory_space<hbm>> -> memref<1x32x512xf32, #tpu.memory_space<hbm>>
        %dma_start3A_147 = tpu.memref_squeeze %dma_start3A_146 : memref<1x32x512xf32, #tpu.memory_space<hbm>> -> memref<32x512xf32, #tpu.memory_space<hbm>>
        %dma_start3A_148 = arith.constant 0 : i32
        %dma_start3A_149 = tpu.memref_slice %arg2[%div3A_142, %rem3A_144, %dma_start3A_148] : memref<32x512x512xf32, #tpu.memory_space<hbm>> -> memref<1x32x512xf32, #tpu.memory_space<hbm>>
        %dma_start3A_150 = tpu.memref_squeeze %dma_start3A_149 : memref<1x32x512xf32, #tpu.memory_space<hbm>> -> memref<32x512xf32, #tpu.memory_space<hbm>>
        tpu.enqueue_dma source(%dma_start3A_150 : memref<32x512xf32, #tpu.memory_space<hbm>>) target(%arg6 : memref<32x512xf32, #tpu.memory_space<vmem>>) target_semaphore(%arg11 : memref<!tpu.dma_semaphore, #tpu.memory_space<semaphore_mem>>)
        %dma_start3A_151 = arith.constant 0 : i32
        %dma_start3A_152 = tpu.memref_slice %arg3[%div3A_142, %rem3A_144, %dma_start3A_151] : memref<32x512x512xf32, #tpu.memory_space<hbm>> -> memref<1x32x512xf32, #tpu.memory_space<hbm>>
        %dma_start3A_153 = tpu.memref_squeeze %dma_start3A_152 : memref<1x32x512xf32, #tpu.memory_space<hbm>> -> memref<32x512xf32, #tpu.memory_space<hbm>>
        %dma_start3A_154 = arith.constant 0 : i32
        %dma_start3A_155 = tpu.memref_slice %arg3[%div3A_142, %rem3A_144, %dma_start3A_154] : memref<32x512x512xf32, #tpu.memory_space<hbm>> -> memref<1x32x512xf32, #tpu.memory_space<hbm>>
        %dma_start3A_156 = tpu.memref_squeeze %dma_start3A_155 : memref<1x32x512xf32, #tpu.memory_space<hbm>> -> memref<32x512xf32, #tpu.memory_space<hbm>>
        tpu.enqueue_dma source(%dma_start3A_156 : memref<32x512xf32, #tpu.memory_space<hbm>>) target(%arg8 : memref<32x512xf32, #tpu.memory_space<vmem>>) target_semaphore(%arg11 : memref<!tpu.dma_semaphore, #tpu.memory_space<semaphore_mem>>)
      } else {
      }
      scf.yield %parallel_loop3A_128#0, %parallel_loop3A_128#1, %parallel_loop3A_128#2, %parallel_loop3A_128#3 : vector<16xi32>, vector<16xi32>, vector<16xi32>, vector<16xi32>
    }
    %scan3A_41 = arith.constant 3 : i32
    %div3A_42 = arith.constant 512 : i32
    %div3A_43 = arith.divsi %mul3A_2, %div3A_42 : i32
    %dma_wait3A = arith.constant 0 : i32
    %dma_wait3A_44 = arith.constant 0 : i32
    %dma_wait3A_45 = tpu.memref_slice %arg2[%div3A_43, %dma_wait3A, %dma_wait3A_44] : memref<32x512x512xf32, #tpu.memory_space<hbm>> -> memref<1x32x512xf32, #tpu.memory_space<hbm>>
    %dma_wait3A_46 = tpu.memref_squeeze %dma_wait3A_45 : memref<1x32x512xf32, #tpu.memory_space<hbm>> -> memref<32x512xf32, #tpu.memory_space<hbm>>
    %dma_wait3A_47 = arith.constant 0 : i32
    %dma_wait3A_48 = arith.constant 0 : i32
    %dma_wait3A_49 = tpu.memref_slice %arg2[%div3A_43, %dma_wait3A_47, %dma_wait3A_48] : memref<32x512x512xf32, #tpu.memory_space<hbm>> -> memref<1x32x512xf32, #tpu.memory_space<hbm>>
    %dma_wait3A_50 = tpu.memref_squeeze %dma_wait3A_49 : memref<1x32x512xf32, #tpu.memory_space<hbm>> -> memref<32x512xf32, #tpu.memory_space<hbm>>
    tpu.wait_dma2 semaphore(%arg10 : memref<!tpu.dma_semaphore, #tpu.memory_space<semaphore_mem>>) src(%dma_wait3A_50 : memref<32x512xf32, #tpu.memory_space<hbm>>) dst(%arg5 : memref<32x512xf32, #tpu.memory_space<vmem>>)
    %dma_wait3A_51 = arith.constant 0 : i32
    %dma_wait3A_52 = arith.constant 0 : i32
    %dma_wait3A_53 = tpu.memref_slice %arg3[%div3A_43, %dma_wait3A_51, %dma_wait3A_52] : memref<32x512x512xf32, #tpu.memory_space<hbm>> -> memref<1x32x512xf32, #tpu.memory_space<hbm>>
    %dma_wait3A_54 = tpu.memref_squeeze %dma_wait3A_53 : memref<1x32x512xf32, #tpu.memory_space<hbm>> -> memref<32x512xf32, #tpu.memory_space<hbm>>
    %dma_wait3A_55 = arith.constant 0 : i32
    %dma_wait3A_56 = arith.constant 0 : i32
    %dma_wait3A_57 = tpu.memref_slice %arg3[%div3A_43, %dma_wait3A_55, %dma_wait3A_56] : memref<32x512x512xf32, #tpu.memory_space<hbm>> -> memref<1x32x512xf32, #tpu.memory_space<hbm>>
    %dma_wait3A_58 = tpu.memref_squeeze %dma_wait3A_57 : memref<1x32x512xf32, #tpu.memory_space<hbm>> -> memref<32x512xf32, #tpu.memory_space<hbm>>
    tpu.wait_dma2 semaphore(%arg10 : memref<!tpu.dma_semaphore, #tpu.memory_space<semaphore_mem>>) src(%dma_wait3A_58 : memref<32x512xf32, #tpu.memory_space<hbm>>) dst(%arg7 : memref<32x512xf32, #tpu.memory_space<vmem>>)
    %parallel_loop3A = arith.constant 0 : i32
    %parallel_loop3A_59 = arith.constant 128 : i32
    %parallel_loop3A_60 = arith.constant 1 : i32
    %parallel_loop3A_61:4 = scf.for %parallel_loop3A_68 = %parallel_loop3A to %parallel_loop3A_59 step %parallel_loop3A_60 iter_args(%parallel_loop3A_69 = %scan3A_40#0, %parallel_loop3A_70 = %scan3A_40#1, %parallel_loop3A_71 = %scan3A_40#2, %parallel_loop3A_72 = %scan3A_40#3) -> (vector<16xi32>, vector<16xi32>, vector<16xi32>, vector<16xi32>)  : i32 {
      %parallel_loop3A_73 = arith.constant 2 : i32
      %parallel_loop3A_74 = arith.shrui %parallel_loop3A_68, %parallel_loop3A_73 : i32
      %parallel_loop3A_75 = arith.constant 3 : i32
      %parallel_loop3A_76 = arith.andi %parallel_loop3A_68, %parallel_loop3A_75 : i32
      %parallel_loop3A_77 = arith.constant 128 : i32
      %parallel_loop3A_78 = arith.muli %parallel_loop3A_76, %parallel_loop3A_77 : i32
      %parallel_loop3A_79 = tpu.assume_multiple %parallel_loop3A_78, 128 : i32
      %parallel_loop3A_80 = arith.constant 0 : i32
      %parallel_loop3A_81 = arith.addi %parallel_loop3A_79, %parallel_loop3A_80 : i32
      %parallel_loop3A_82 = arith.index_cast %parallel_loop3A_74 : i32 to index
      %parallel_loop3A_83 = arith.index_cast %parallel_loop3A_81 : i32 to index
      %parallel_loop3A_84 = tpu.vector_load %arg5[%parallel_loop3A_82, %parallel_loop3A_83] {strides = array<i32>} : memref<32x512xf32, #tpu.memory_space<vmem>>, vector<1x16xf32>,
      %parallel_loop3A_85 = vector.shape_cast %parallel_loop3A_84 : vector<1x16xf32> to vector<16xf32>
      %parallel_loop3A_86 = arith.constant 0 : i32
      %parallel_loop3A_87 = arith.addi %parallel_loop3A_79, %parallel_loop3A_86 : i32
      %parallel_loop3A_88 = arith.index_cast %parallel_loop3A_74 : i32 to index
      %parallel_loop3A_89 = arith.index_cast %parallel_loop3A_87 : i32 to index
      %parallel_loop3A_90 = tpu.vector_load %arg7[%parallel_loop3A_88, %parallel_loop3A_89] {strides = array<i32>} : memref<32x512xf32, #tpu.memory_space<vmem>>, vector<1x16xf32>,
      %parallel_loop3A_91 = vector.shape_cast %parallel_loop3A_90 : vector<1x16xf32> to vector<16xf32>
      %parallel_loop3A_92 = arith.constant 1.250000e+00 : f32
      %parallel_loop3A_93 = vector.broadcast %parallel_loop3A_92 : f32 to vector<16xf32>
      %parallel_loop3A_94 = arith.mulf %parallel_loop3A_93, %parallel_loop3A_91 : vector<16xf32>
      %parallel_loop3A_95 = arith.cmpf olt, %parallel_loop3A_85, %parallel_loop3A_94 : vector<16xf32>
      %parallel_loop3A_96 = arith.constant 1.250000e+00 : f32
      %parallel_loop3A_97 = vector.broadcast %parallel_loop3A_96 : f32 to vector<16xf32>
      %parallel_loop3A_98 = arith.mulf %parallel_loop3A_97, %parallel_loop3A_85 : vector<16xf32>
      %parallel_loop3A_99 = arith.cmpf olt, %parallel_loop3A_91, %parallel_loop3A_98 : vector<16xf32>
      %parallel_loop3A_100 = arith.andi %parallel_loop3A_95, %parallel_loop3A_99 : vector<16xi1>
      %parallel_loop3A_101 = arith.constant 0.000000e+00 : f32
      %parallel_loop3A_102 = vector.broadcast %parallel_loop3A_101 : f32 to vector<16xf32>
      %parallel_loop3A_103 = arith.cmpf ogt, %parallel_loop3A_91, %parallel_loop3A_102 : vector<16xf32>
      %parallel_loop3A_104 = arith.constant 65536 : i32
      %parallel_loop3A_105 = arith.constant 0 : i32
      %parallel_loop3A_106 = vector.broadcast %parallel_loop3A_104 : i32 to vector<16xi32>
      %parallel_loop3A_107 = vector.broadcast %parallel_loop3A_105 : i32 to vector<16xi32>
      %parallel_loop3A_108 = arith.select %parallel_loop3A_103, %parallel_loop3A_106, %parallel_loop3A_107 : vector<16xi1>, vector<16xi32>
      %parallel_loop3A_109 = arith.constant 65537 : i32
      %parallel_loop3A_110 = vector.broadcast %parallel_loop3A_109 : i32 to vector<16xi32>
      %parallel_loop3A_111 = arith.select %parallel_loop3A_100, %parallel_loop3A_110, %parallel_loop3A_108 : vector<16xi1>, vector<16xi32>
      %parallel_loop3A_112 = arith.addi %parallel_loop3A_69, %parallel_loop3A_111 : vector<16xi32>
      %parallel_loop3A_113 = arith.constant 16 : i32
      %parallel_loop3A_114 = arith.addi %parallel_loop3A_79, %parallel_loop3A_113 : i32
      %parallel_loop3A_115 = arith.index_cast %parallel_loop3A_74 : i32 to index
      %parallel_loop3A_116 = arith.index_cast %parallel_loop3A_114 : i32 to index
      %parallel_loop3A_117 = tpu.vector_load %arg5[%parallel_loop3A_115, %parallel_loop3A_116] {strides = array<i32>} : memref<32x512xf32, #tpu.memory_space<vmem>>, vector<1x16xf32>,
      %parallel_loop3A_118 = vector.shape_cast %parallel_loop3A_117 : vector<1x16xf32> to vector<16xf32>
      %parallel_loop3A_119 = arith.constant 16 : i32
      %parallel_loop3A_120 = arith.addi %parallel_loop3A_79, %parallel_loop3A_119 : i32
      %parallel_loop3A_121 = arith.index_cast %parallel_loop3A_74 : i32 to index
      %parallel_loop3A_122 = arith.index_cast %parallel_loop3A_120 : i32 to index
      %parallel_loop3A_123 = tpu.vector_load %arg7[%parallel_loop3A_121, %parallel_loop3A_122] {strides = array<i32>} : memref<32x512xf32, #tpu.memory_space<vmem>>, vector<1x16xf32>,
      %parallel_loop3A_124 = vector.shape_cast %parallel_loop3A_123 : vector<1x16xf32> to vector<16xf32>
      %parallel_loop3A_125 = arith.constant 1.250000e+00 : f32
      %parallel_loop3A_126 = vector.broadcast %parallel_loop3A_125 : f32 to vector<16xf32>
      %parallel_loop3A_127 = arith.mulf %parallel_loop3A_126, %parallel_loop3A_124 : vector<16xf32>
      %parallel_loop3A_128 = arith.cmpf olt, %parallel_loop3A_118, %parallel_loop3A_127 : vector<16xf32>
      %parallel_loop3A_129 = arith.constant 1.250000e+00 : f32
      %parallel_loop3A_130 = vector.broadcast %parallel_loop3A_129 : f32 to vector<16xf32>
      %parallel_loop3A_131 = arith.mulf %parallel_loop3A_130, %parallel_loop3A_118 : vector<16xf32>
      %parallel_loop3A_132 = arith.cmpf olt, %parallel_loop3A_124, %parallel_loop3A_131 : vector<16xf32>
      %parallel_loop3A_133 = arith.andi %parallel_loop3A_128, %parallel_loop3A_132 : vector<16xi1>
      %parallel_loop3A_134 = arith.constant 0.000000e+00 : f32
      %parallel_loop3A_135 = vector.broadcast %parallel_loop3A_134 : f32 to vector<16xf32>
      %parallel_loop3A_136 = arith.cmpf ogt, %parallel_loop3A_124, %parallel_loop3A_135 : vector<16xf32>
      %parallel_loop3A_137 = arith.constant 65536 : i32
      %parallel_loop3A_138 = arith.constant 0 : i32
      %parallel_loop3A_139 = vector.broadcast %parallel_loop3A_137 : i32 to vector<16xi32>
      %parallel_loop3A_140 = vector.broadcast %parallel_loop3A_138 : i32 to vector<16xi32>
      %parallel_loop3A_141 = arith.select %parallel_loop3A_136, %parallel_loop3A_139, %parallel_loop3A_140 : vector<16xi1>, vector<16xi32>
      %parallel_loop3A_142 = arith.constant 65537 : i32
      %parallel_loop3A_143 = vector.broadcast %parallel_loop3A_142 : i32 to vector<16xi32>
      %parallel_loop3A_144 = arith.select %parallel_loop3A_133, %parallel_loop3A_143, %parallel_loop3A_141 : vector<16xi1>, vector<16xi32>
      %parallel_loop3A_145 = arith.addi %parallel_loop3A_70, %parallel_loop3A_144 : vector<16xi32>
      %parallel_loop3A_146 = arith.constant 32 : i32
      %parallel_loop3A_147 = arith.addi %parallel_loop3A_79, %parallel_loop3A_146 : i32
      %parallel_loop3A_148 = arith.index_cast %parallel_loop3A_74 : i32 to index
      %parallel_loop3A_149 = arith.index_cast %parallel_loop3A_147 : i32 to index
      %parallel_loop3A_150 = tpu.vector_load %arg5[%parallel_loop3A_148, %parallel_loop3A_149] {strides = array<i32>} : memref<32x512xf32, #tpu.memory_space<vmem>>, vector<1x16xf32>,
      %parallel_loop3A_151 = vector.shape_cast %parallel_loop3A_150 : vector<1x16xf32> to vector<16xf32>
      %parallel_loop3A_152 = arith.constant 32 : i32
      %parallel_loop3A_153 = arith.addi %parallel_loop3A_79, %parallel_loop3A_152 : i32
      %parallel_loop3A_154 = arith.index_cast %parallel_loop3A_74 : i32 to index
      %parallel_loop3A_155 = arith.index_cast %parallel_loop3A_153 : i32 to index
      %parallel_loop3A_156 = tpu.vector_load %arg7[%parallel_loop3A_154, %parallel_loop3A_155] {strides = array<i32>} : memref<32x512xf32, #tpu.memory_space<vmem>>, vector<1x16xf32>,
      %parallel_loop3A_157 = vector.shape_cast %parallel_loop3A_156 : vector<1x16xf32> to vector<16xf32>
      %parallel_loop3A_158 = arith.constant 1.250000e+00 : f32
      %parallel_loop3A_159 = vector.broadcast %parallel_loop3A_158 : f32 to vector<16xf32>
      %parallel_loop3A_160 = arith.mulf %parallel_loop3A_159, %parallel_loop3A_157 : vector<16xf32>
      %parallel_loop3A_161 = arith.cmpf olt, %parallel_loop3A_151, %parallel_loop3A_160 : vector<16xf32>
      %parallel_loop3A_162 = arith.constant 1.250000e+00 : f32
      %parallel_loop3A_163 = vector.broadcast %parallel_loop3A_162 : f32 to vector<16xf32>
      %parallel_loop3A_164 = arith.mulf %parallel_loop3A_163, %parallel_loop3A_151 : vector<16xf32>
      %parallel_loop3A_165 = arith.cmpf olt, %parallel_loop3A_157, %parallel_loop3A_164 : vector<16xf32>
      %parallel_loop3A_166 = arith.andi %parallel_loop3A_161, %parallel_loop3A_165 : vector<16xi1>
      %parallel_loop3A_167 = arith.constant 0.000000e+00 : f32
      %parallel_loop3A_168 = vector.broadcast %parallel_loop3A_167 : f32 to vector<16xf32>
      %parallel_loop3A_169 = arith.cmpf ogt, %parallel_loop3A_157, %parallel_loop3A_168 : vector<16xf32>
      %parallel_loop3A_170 = arith.constant 65536 : i32
      %parallel_loop3A_171 = arith.constant 0 : i32
      %parallel_loop3A_172 = vector.broadcast %parallel_loop3A_170 : i32 to vector<16xi32>
      %parallel_loop3A_173 = vector.broadcast %parallel_loop3A_171 : i32 to vector<16xi32>
      %parallel_loop3A_174 = arith.select %parallel_loop3A_169, %parallel_loop3A_172, %parallel_loop3A_173 : vector<16xi1>, vector<16xi32>
      %parallel_loop3A_175 = arith.constant 65537 : i32
      %parallel_loop3A_176 = vector.broadcast %parallel_loop3A_175 : i32 to vector<16xi32>
      %parallel_loop3A_177 = arith.select %parallel_loop3A_166, %parallel_loop3A_176, %parallel_loop3A_174 : vector<16xi1>, vector<16xi32>
      %parallel_loop3A_178 = arith.addi %parallel_loop3A_71, %parallel_loop3A_177 : vector<16xi32>
      %parallel_loop3A_179 = arith.constant 48 : i32
      %parallel_loop3A_180 = arith.addi %parallel_loop3A_79, %parallel_loop3A_179 : i32
      %parallel_loop3A_181 = arith.index_cast %parallel_loop3A_74 : i32 to index
      %parallel_loop3A_182 = arith.index_cast %parallel_loop3A_180 : i32 to index
      %parallel_loop3A_183 = tpu.vector_load %arg5[%parallel_loop3A_181, %parallel_loop3A_182] {strides = array<i32>} : memref<32x512xf32, #tpu.memory_space<vmem>>, vector<1x16xf32>,
      %parallel_loop3A_184 = vector.shape_cast %parallel_loop3A_183 : vector<1x16xf32> to vector<16xf32>
      %parallel_loop3A_185 = arith.constant 48 : i32
      %parallel_loop3A_186 = arith.addi %parallel_loop3A_79, %parallel_loop3A_185 : i32
      %parallel_loop3A_187 = arith.index_cast %parallel_loop3A_74 : i32 to index
      %parallel_loop3A_188 = arith.index_cast %parallel_loop3A_186 : i32 to index
      %parallel_loop3A_189 = tpu.vector_load %arg7[%parallel_loop3A_187, %parallel_loop3A_188] {strides = array<i32>} : memref<32x512xf32, #tpu.memory_space<vmem>>, vector<1x16xf32>,
      %parallel_loop3A_190 = vector.shape_cast %parallel_loop3A_189 : vector<1x16xf32> to vector<16xf32>
      %parallel_loop3A_191 = arith.constant 1.250000e+00 : f32
      %parallel_loop3A_192 = vector.broadcast %parallel_loop3A_191 : f32 to vector<16xf32>
      %parallel_loop3A_193 = arith.mulf %parallel_loop3A_192, %parallel_loop3A_190 : vector<16xf32>
      %parallel_loop3A_194 = arith.cmpf olt, %parallel_loop3A_184, %parallel_loop3A_193 : vector<16xf32>
      %parallel_loop3A_195 = arith.constant 1.250000e+00 : f32
      %parallel_loop3A_196 = vector.broadcast %parallel_loop3A_195 : f32 to vector<16xf32>
      %parallel_loop3A_197 = arith.mulf %parallel_loop3A_196, %parallel_loop3A_184 : vector<16xf32>
      %parallel_loop3A_198 = arith.cmpf olt, %parallel_loop3A_190, %parallel_loop3A_197 : vector<16xf32>
      %parallel_loop3A_199 = arith.andi %parallel_loop3A_194, %parallel_loop3A_198 : vector<16xi1>
      %parallel_loop3A_200 = arith.constant 0.000000e+00 : f32
      %parallel_loop3A_201 = vector.broadcast %parallel_loop3A_200 : f32 to vector<16xf32>
      %parallel_loop3A_202 = arith.cmpf ogt, %parallel_loop3A_190, %parallel_loop3A_201 : vector<16xf32>
      %parallel_loop3A_203 = arith.constant 65536 : i32
      %parallel_loop3A_204 = arith.constant 0 : i32
      %parallel_loop3A_205 = vector.broadcast %parallel_loop3A_203 : i32 to vector<16xi32>
      %parallel_loop3A_206 = vector.broadcast %parallel_loop3A_204 : i32 to vector<16xi32>
      %parallel_loop3A_207 = arith.select %parallel_loop3A_202, %parallel_loop3A_205, %parallel_loop3A_206 : vector<16xi1>, vector<16xi32>
      %parallel_loop3A_208 = arith.constant 65537 : i32
      %parallel_loop3A_209 = vector.broadcast %parallel_loop3A_208 : i32 to vector<16xi32>
      %parallel_loop3A_210 = arith.select %parallel_loop3A_199, %parallel_loop3A_209, %parallel_loop3A_207 : vector<16xi1>, vector<16xi32>
      %parallel_loop3A_211 = arith.addi %parallel_loop3A_72, %parallel_loop3A_210 : vector<16xi32>
      %parallel_loop3A_212 = arith.constant 64 : i32
      %parallel_loop3A_213 = arith.addi %parallel_loop3A_79, %parallel_loop3A_212 : i32
      %parallel_loop3A_214 = arith.index_cast %parallel_loop3A_74 : i32 to index
      %parallel_loop3A_215 = arith.index_cast %parallel_loop3A_213 : i32 to index
      %parallel_loop3A_216 = tpu.vector_load %arg5[%parallel_loop3A_214, %parallel_loop3A_215] {strides = array<i32>} : memref<32x512xf32, #tpu.memory_space<vmem>>, vector<1x16xf32>,
      %parallel_loop3A_217 = vector.shape_cast %parallel_loop3A_216 : vector<1x16xf32> to vector<16xf32>
      %parallel_loop3A_218 = arith.constant 64 : i32
      %parallel_loop3A_219 = arith.addi %parallel_loop3A_79, %parallel_loop3A_218 : i32
      %parallel_loop3A_220 = arith.index_cast %parallel_loop3A_74 : i32 to index
      %parallel_loop3A_221 = arith.index_cast %parallel_loop3A_219 : i32 to index
      %parallel_loop3A_222 = tpu.vector_load %arg7[%parallel_loop3A_220, %parallel_loop3A_221] {strides = array<i32>} : memref<32x512xf32, #tpu.memory_space<vmem>>, vector<1x16xf32>,
      %parallel_loop3A_223 = vector.shape_cast %parallel_loop3A_222 : vector<1x16xf32> to vector<16xf32>
      %parallel_loop3A_224 = arith.constant 1.250000e+00 : f32
      %parallel_loop3A_225 = vector.broadcast %parallel_loop3A_224 : f32 to vector<16xf32>
      %parallel_loop3A_226 = arith.mulf %parallel_loop3A_225, %parallel_loop3A_223 : vector<16xf32>
      %parallel_loop3A_227 = arith.cmpf olt, %parallel_loop3A_217, %parallel_loop3A_226 : vector<16xf32>
      %parallel_loop3A_228 = arith.constant 1.250000e+00 : f32
      %parallel_loop3A_229 = vector.broadcast %parallel_loop3A_228 : f32 to vector<16xf32>
      %parallel_loop3A_230 = arith.mulf %parallel_loop3A_229, %parallel_loop3A_217 : vector<16xf32>
      %parallel_loop3A_231 = arith.cmpf olt, %parallel_loop3A_223, %parallel_loop3A_230 : vector<16xf32>
      %parallel_loop3A_232 = arith.andi %parallel_loop3A_227, %parallel_loop3A_231 : vector<16xi1>
      %parallel_loop3A_233 = arith.constant 0.000000e+00 : f32
      %parallel_loop3A_234 = vector.broadcast %parallel_loop3A_233 : f32 to vector<16xf32>
      %parallel_loop3A_235 = arith.cmpf ogt, %parallel_loop3A_223, %parallel_loop3A_234 : vector<16xf32>
      %parallel_loop3A_236 = arith.constant 65536 : i32
      %parallel_loop3A_237 = arith.constant 0 : i32
      %parallel_loop3A_238 = vector.broadcast %parallel_loop3A_236 : i32 to vector<16xi32>
      %parallel_loop3A_239 = vector.broadcast %parallel_loop3A_237 : i32 to vector<16xi32>
      %parallel_loop3A_240 = arith.select %parallel_loop3A_235, %parallel_loop3A_238, %parallel_loop3A_239 : vector<16xi1>, vector<16xi32>
      %parallel_loop3A_241 = arith.constant 65537 : i32
      %parallel_loop3A_242 = vector.broadcast %parallel_loop3A_241 : i32 to vector<16xi32>
      %parallel_loop3A_243 = arith.select %parallel_loop3A_232, %parallel_loop3A_242, %parallel_loop3A_240 : vector<16xi1>, vector<16xi32>
      %parallel_loop3A_244 = arith.addi %parallel_loop3A_112, %parallel_loop3A_243 : vector<16xi32>
      %parallel_loop3A_245 = arith.constant 80 : i32
      %parallel_loop3A_246 = arith.addi %parallel_loop3A_79, %parallel_loop3A_245 : i32
      %parallel_loop3A_247 = arith.index_cast %parallel_loop3A_74 : i32 to index
      %parallel_loop3A_248 = arith.index_cast %parallel_loop3A_246 : i32 to index
      %parallel_loop3A_249 = tpu.vector_load %arg5[%parallel_loop3A_247, %parallel_loop3A_248] {strides = array<i32>} : memref<32x512xf32, #tpu.memory_space<vmem>>, vector<1x16xf32>,
      %parallel_loop3A_250 = vector.shape_cast %parallel_loop3A_249 : vector<1x16xf32> to vector<16xf32>
      %parallel_loop3A_251 = arith.constant 80 : i32
      %parallel_loop3A_252 = arith.addi %parallel_loop3A_79, %parallel_loop3A_251 : i32
      %parallel_loop3A_253 = arith.index_cast %parallel_loop3A_74 : i32 to index
      %parallel_loop3A_254 = arith.index_cast %parallel_loop3A_252 : i32 to index
      %parallel_loop3A_255 = tpu.vector_load %arg7[%parallel_loop3A_253, %parallel_loop3A_254] {strides = array<i32>} : memref<32x512xf32, #tpu.memory_space<vmem>>, vector<1x16xf32>,
      %parallel_loop3A_256 = vector.shape_cast %parallel_loop3A_255 : vector<1x16xf32> to vector<16xf32>
      %parallel_loop3A_257 = arith.constant 1.250000e+00 : f32
      %parallel_loop3A_258 = vector.broadcast %parallel_loop3A_257 : f32 to vector<16xf32>
      %parallel_loop3A_259 = arith.mulf %parallel_loop3A_258, %parallel_loop3A_256 : vector<16xf32>
      %parallel_loop3A_260 = arith.cmpf olt, %parallel_loop3A_250, %parallel_loop3A_259 : vector<16xf32>
      %parallel_loop3A_261 = arith.constant 1.250000e+00 : f32
      %parallel_loop3A_262 = vector.broadcast %parallel_loop3A_261 : f32 to vector<16xf32>
      %parallel_loop3A_263 = arith.mulf %parallel_loop3A_262, %parallel_loop3A_250 : vector<16xf32>
      %parallel_loop3A_264 = arith.cmpf olt, %parallel_loop3A_256, %parallel_loop3A_263 : vector<16xf32>
      %parallel_loop3A_265 = arith.andi %parallel_loop3A_260, %parallel_loop3A_264 : vector<16xi1>
      %parallel_loop3A_266 = arith.constant 0.000000e+00 : f32
      %parallel_loop3A_267 = vector.broadcast %parallel_loop3A_266 : f32 to vector<16xf32>
      %parallel_loop3A_268 = arith.cmpf ogt, %parallel_loop3A_256, %parallel_loop3A_267 : vector<16xf32>
      %parallel_loop3A_269 = arith.constant 65536 : i32
      %parallel_loop3A_270 = arith.constant 0 : i32
      %parallel_loop3A_271 = vector.broadcast %parallel_loop3A_269 : i32 to vector<16xi32>
      %parallel_loop3A_272 = vector.broadcast %parallel_loop3A_270 : i32 to vector<16xi32>
      %parallel_loop3A_273 = arith.select %parallel_loop3A_268, %parallel_loop3A_271, %parallel_loop3A_272 : vector<16xi1>, vector<16xi32>
      %parallel_loop3A_274 = arith.constant 65537 : i32
      %parallel_loop3A_275 = vector.broadcast %parallel_loop3A_274 : i32 to vector<16xi32>
      %parallel_loop3A_276 = arith.select %parallel_loop3A_265, %parallel_loop3A_275, %parallel_loop3A_273 : vector<16xi1>, vector<16xi32>
      %parallel_loop3A_277 = arith.addi %parallel_loop3A_145, %parallel_loop3A_276 : vector<16xi32>
      %parallel_loop3A_278 = arith.constant 96 : i32
      %parallel_loop3A_279 = arith.addi %parallel_loop3A_79, %parallel_loop3A_278 : i32
      %parallel_loop3A_280 = arith.index_cast %parallel_loop3A_74 : i32 to index
      %parallel_loop3A_281 = arith.index_cast %parallel_loop3A_279 : i32 to index
      %parallel_loop3A_282 = tpu.vector_load %arg5[%parallel_loop3A_280, %parallel_loop3A_281] {strides = array<i32>} : memref<32x512xf32, #tpu.memory_space<vmem>>, vector<1x16xf32>,
      %parallel_loop3A_283 = vector.shape_cast %parallel_loop3A_282 : vector<1x16xf32> to vector<16xf32>
      %parallel_loop3A_284 = arith.constant 96 : i32
      %parallel_loop3A_285 = arith.addi %parallel_loop3A_79, %parallel_loop3A_284 : i32
      %parallel_loop3A_286 = arith.index_cast %parallel_loop3A_74 : i32 to index
      %parallel_loop3A_287 = arith.index_cast %parallel_loop3A_285 : i32 to index
      %parallel_loop3A_288 = tpu.vector_load %arg7[%parallel_loop3A_286, %parallel_loop3A_287] {strides = array<i32>} : memref<32x512xf32, #tpu.memory_space<vmem>>, vector<1x16xf32>,
      %parallel_loop3A_289 = vector.shape_cast %parallel_loop3A_288 : vector<1x16xf32> to vector<16xf32>
      %parallel_loop3A_290 = arith.constant 1.250000e+00 : f32
      %parallel_loop3A_291 = vector.broadcast %parallel_loop3A_290 : f32 to vector<16xf32>
      %parallel_loop3A_292 = arith.mulf %parallel_loop3A_291, %parallel_loop3A_289 : vector<16xf32>
      %parallel_loop3A_293 = arith.cmpf olt, %parallel_loop3A_283, %parallel_loop3A_292 : vector<16xf32>
      %parallel_loop3A_294 = arith.constant 1.250000e+00 : f32
      %parallel_loop3A_295 = vector.broadcast %parallel_loop3A_294 : f32 to vector<16xf32>
      %parallel_loop3A_296 = arith.mulf %parallel_loop3A_295, %parallel_loop3A_283 : vector<16xf32>
      %parallel_loop3A_297 = arith.cmpf olt, %parallel_loop3A_289, %parallel_loop3A_296 : vector<16xf32>
      %parallel_loop3A_298 = arith.andi %parallel_loop3A_293, %parallel_loop3A_297 : vector<16xi1>
      %parallel_loop3A_299 = arith.constant 0.000000e+00 : f32
      %parallel_loop3A_300 = vector.broadcast %parallel_loop3A_299 : f32 to vector<16xf32>
      %parallel_loop3A_301 = arith.cmpf ogt, %parallel_loop3A_289, %parallel_loop3A_300 : vector<16xf32>
      %parallel_loop3A_302 = arith.constant 65536 : i32
      %parallel_loop3A_303 = arith.constant 0 : i32
      %parallel_loop3A_304 = vector.broadcast %parallel_loop3A_302 : i32 to vector<16xi32>
      %parallel_loop3A_305 = vector.broadcast %parallel_loop3A_303 : i32 to vector<16xi32>
      %parallel_loop3A_306 = arith.select %parallel_loop3A_301, %parallel_loop3A_304, %parallel_loop3A_305 : vector<16xi1>, vector<16xi32>
      %parallel_loop3A_307 = arith.constant 65537 : i32
      %parallel_loop3A_308 = vector.broadcast %parallel_loop3A_307 : i32 to vector<16xi32>
      %parallel_loop3A_309 = arith.select %parallel_loop3A_298, %parallel_loop3A_308, %parallel_loop3A_306 : vector<16xi1>, vector<16xi32>
      %parallel_loop3A_310 = arith.addi %parallel_loop3A_178, %parallel_loop3A_309 : vector<16xi32>
      %parallel_loop3A_311 = arith.constant 112 : i32
      %parallel_loop3A_312 = arith.addi %parallel_loop3A_79, %parallel_loop3A_311 : i32
      %parallel_loop3A_313 = arith.index_cast %parallel_loop3A_74 : i32 to index
      %parallel_loop3A_314 = arith.index_cast %parallel_loop3A_312 : i32 to index
      %parallel_loop3A_315 = tpu.vector_load %arg5[%parallel_loop3A_313, %parallel_loop3A_314] {strides = array<i32>} : memref<32x512xf32, #tpu.memory_space<vmem>>, vector<1x16xf32>,
      %parallel_loop3A_316 = vector.shape_cast %parallel_loop3A_315 : vector<1x16xf32> to vector<16xf32>
      %parallel_loop3A_317 = arith.constant 112 : i32
      %parallel_loop3A_318 = arith.addi %parallel_loop3A_79, %parallel_loop3A_317 : i32
      %parallel_loop3A_319 = arith.index_cast %parallel_loop3A_74 : i32 to index
      %parallel_loop3A_320 = arith.index_cast %parallel_loop3A_318 : i32 to index
      %parallel_loop3A_321 = tpu.vector_load %arg7[%parallel_loop3A_319, %parallel_loop3A_320] {strides = array<i32>} : memref<32x512xf32, #tpu.memory_space<vmem>>, vector<1x16xf32>,
      %parallel_loop3A_322 = vector.shape_cast %parallel_loop3A_321 : vector<1x16xf32> to vector<16xf32>
      %parallel_loop3A_323 = arith.constant 1.250000e+00 : f32
      %parallel_loop3A_324 = vector.broadcast %parallel_loop3A_323 : f32 to vector<16xf32>
      %parallel_loop3A_325 = arith.mulf %parallel_loop3A_324, %parallel_loop3A_322 : vector<16xf32>
      %parallel_loop3A_326 = arith.cmpf olt, %parallel_loop3A_316, %parallel_loop3A_325 : vector<16xf32>
      %parallel_loop3A_327 = arith.constant 1.250000e+00 : f32
      %parallel_loop3A_328 = vector.broadcast %parallel_loop3A_327 : f32 to vector<16xf32>
      %parallel_loop3A_329 = arith.mulf %parallel_loop3A_328, %parallel_loop3A_316 : vector<16xf32>
      %parallel_loop3A_330 = arith.cmpf olt, %parallel_loop3A_322, %parallel_loop3A_329 : vector<16xf32>
      %parallel_loop3A_331 = arith.andi %parallel_loop3A_326, %parallel_loop3A_330 : vector<16xi1>
      %parallel_loop3A_332 = arith.constant 0.000000e+00 : f32
      %parallel_loop3A_333 = vector.broadcast %parallel_loop3A_332 : f32 to vector<16xf32>
      %parallel_loop3A_334 = arith.cmpf ogt, %parallel_loop3A_322, %parallel_loop3A_333 : vector<16xf32>
      %parallel_loop3A_335 = arith.constant 65536 : i32
      %parallel_loop3A_336 = arith.constant 0 : i32
      %parallel_loop3A_337 = vector.broadcast %parallel_loop3A_335 : i32 to vector<16xi32>
      %parallel_loop3A_338 = vector.broadcast %parallel_loop3A_336 : i32 to vector<16xi32>
      %parallel_loop3A_339 = arith.select %parallel_loop3A_334, %parallel_loop3A_337, %parallel_loop3A_338 : vector<16xi1>, vector<16xi32>
      %parallel_loop3A_340 = arith.constant 65537 : i32
      %parallel_loop3A_341 = vector.broadcast %parallel_loop3A_340 : i32 to vector<16xi32>
      %parallel_loop3A_342 = arith.select %parallel_loop3A_331, %parallel_loop3A_341, %parallel_loop3A_339 : vector<16xi1>, vector<16xi32>
      %parallel_loop3A_343 = arith.addi %parallel_loop3A_211, %parallel_loop3A_342 : vector<16xi32>
      scf.yield %parallel_loop3A_244, %parallel_loop3A_277, %parallel_loop3A_310, %parallel_loop3A_343 : vector<16xi32>, vector<16xi32>, vector<16xi32>, vector<16xi32>
    } {sc.loop_unroll_factor = 1 : i64, sc.parallel_access}
    %add3A_62 = arith.addi %parallel_loop3A_61#0, %parallel_loop3A_61#1 : vector<16xi32>
    %add3A_63 = arith.addi %parallel_loop3A_61#2, %parallel_loop3A_61#3 : vector<16xi32>
    %add3A_64 = arith.addi %add3A_62, %add3A_63 : vector<16xi32>
    %swap3A = arith.constant 0 : index
    %swap3A_65 = tpu.vector_load %arg9[%swap3A] {strides = array<i32>} : memref<16xi32, #tpu.memory_space<vmem>>, vector<16xi32>,
    %swap3A_66 = vector.shape_cast %swap3A_65 : vector<16xi32> to vector<16xi32>
    %swap3A_67 = vector.shape_cast %add3A_64 : vector<16xi32> to vector<16xi32>
    tpu.vector_store %arg9[%swap3A], %swap3A_67 {strides = array<i32>} : memref<16xi32, #tpu.memory_space<vmem>>, vector<16xi32>,
    "tpu.region"() ({
      %run_scoped3A = tpu.sem_alloc : memref<!tpu.dma_semaphore, #tpu.memory_space<semaphore_mem>>
      %dma_start3A_68 = arith.constant 0 : i32
      %dma_start3A_69 = tpu.memref_slice %arg4[%add3A, %dma_start3A_68] : memref<32x16xi32, #tpu.memory_space<hbm>> -> memref<1x16xi32, #tpu.memory_space<hbm>>
      %dma_start3A_70 = tpu.memref_squeeze %dma_start3A_69 : memref<1x16xi32, #tpu.memory_space<hbm>> -> memref<16xi32, #tpu.memory_space<hbm>>
      %dma_start3A_71 = arith.constant 0 : i32
      %dma_start3A_72 = tpu.memref_slice %arg4[%add3A, %dma_start3A_71] : memref<32x16xi32, #tpu.memory_space<hbm>> -> memref<1x16xi32, #tpu.memory_space<hbm>>
      %dma_start3A_73 = tpu.memref_squeeze %dma_start3A_72 : memref<1x16xi32, #tpu.memory_space<hbm>> -> memref<16xi32, #tpu.memory_space<hbm>>
      tpu.enqueue_dma source(%arg9 : memref<16xi32, #tpu.memory_space<vmem>>) target(%dma_start3A_73 : memref<16xi32, #tpu.memory_space<hbm>>) target_semaphore(%run_scoped3A : memref<!tpu.dma_semaphore, #tpu.memory_space<semaphore_mem>>)
      %dma_wait3A_74 = arith.constant 0 : i32
      %dma_wait3A_75 = tpu.memref_slice %arg4[%add3A, %dma_wait3A_74] : memref<32x16xi32, #tpu.memory_space<hbm>> -> memref<1x16xi32, #tpu.memory_space<hbm>>
      %dma_wait3A_76 = tpu.memref_squeeze %dma_wait3A_75 : memref<1x16xi32, #tpu.memory_space<hbm>> -> memref<16xi32, #tpu.memory_space<hbm>>
      %dma_wait3A_77 = arith.constant 0 : i32
      %dma_wait3A_78 = tpu.memref_slice %arg4[%add3A, %dma_wait3A_77] : memref<32x16xi32, #tpu.memory_space<hbm>> -> memref<1x16xi32, #tpu.memory_space<hbm>>
      %dma_wait3A_79 = tpu.memref_squeeze %dma_wait3A_78 : memref<1x16xi32, #tpu.memory_space<hbm>> -> memref<16xi32, #tpu.memory_space<hbm>>
      tpu.wait_dma2 semaphore(%run_scoped3A : memref<!tpu.dma_semaphore, #tpu.memory_space<semaphore_mem>>) src(%arg9 : memref<16xi32, #tpu.memory_space<vmem>>) dst(%dma_wait3A_79 : memref<16xi32, #tpu.memory_space<hbm>>)
      tpu.yield
    }) : () -> ()
    return
  }
}

module attributes {stable_mosaic.version = 14 : i64} {
  func.func @_delta1_tc_body(%arg0: i32, %arg1: memref<1x512x512xf32, #tpu.memory_space<vmem>>, %arg2: memref<1x512x512xf32, #tpu.memory_space<vmem>>, %arg3: memref<1x8x512xi32, #tpu.memory_space<vmem>>) attributes {dimension_semantics = [#tpu.dimension_semantics<arbitrary>], iteration_bounds = array<i64: 18>, scalar_prefetch = 0 : i64, scratch_operands = 0 : i64, tpu.core_type = #tpu.core_type<tc>, window_params = [{transform_indices = @transform_0, window_bounds = array<i64: 1, 512, 512>}, {transform_indices = @transform_1, window_bounds = array<i64: 1, 512, 512>}, {pipeline_mode = #tpu.pipeline_mode<synchronous>, transform_indices = @transform_2, window_bounds = array<i64: 1, 8, 512>}]} {
    %eq3A = arith.constant 0 : i32
    %eq3A_0 = arith.cmpi eq, %arg0, %eq3A : i32
    %convert_element_type3A = arith.extui %eq3A_0 : i1 to i32
    %cond3A = arith.constant 0 : i32
    %cond3A_1 = arith.cmpi ne, %convert_element_type3A, %cond3A : i32
    scf.if %cond3A_1 {
      %broadcast_in_dim3A_35 = arith.constant 0 : i32
      %broadcast_in_dim3A_36 = vector.broadcast %broadcast_in_dim3A_35 : i32 to vector<1x8x512xi32>
      %swap3A_37 = arith.constant 0 : index
      %swap3A_38 = arith.constant 0 : index
      %swap3A_39 = arith.constant 0 : index
      %swap3A_40 = vector.load %arg3[%swap3A_37, %swap3A_38, %swap3A_39] : memref<1x8x512xi32, #tpu.memory_space<vmem>>, vector<1x8x512xi32>
      tpu.vector_store %arg3[%swap3A_37, %swap3A_38, %swap3A_39], %broadcast_in_dim3A_36 {strides = array<i32>} : memref<1x8x512xi32, #tpu.memory_space<vmem>>, vector<1x8x512xi32>,
    } else {
    }
    %get3A = arith.constant 0 : index
    %get3A_2 = arith.constant 0 : index
    %get3A_3 = arith.constant 0 : index
    %get3A_4 = vector.load %arg1[%get3A, %get3A_2, %get3A_3] : memref<1x512x512xf32, #tpu.memory_space<vmem>>, vector<1x512x512xf32>
    %get3A_5 = vector.shape_cast %get3A_4 : vector<1x512x512xf32> to vector<512x512xf32>
    %get3A_6 = arith.constant 0 : index
    %get3A_7 = arith.constant 0 : index
    %get3A_8 = arith.constant 0 : index
    %get3A_9 = vector.load %arg2[%get3A_6, %get3A_7, %get3A_8] : memref<1x512x512xf32, #tpu.memory_space<vmem>>, vector<1x512x512xf32>
    %get3A_10 = vector.shape_cast %get3A_9 : vector<1x512x512xf32> to vector<512x512xf32>
    %mul3A = arith.constant 1.250000e+00 : f32
    %mul3A_11 = vector.broadcast %mul3A : f32 to vector<512x512xf32>
    %mul3A_12 = arith.mulf %mul3A_11, %get3A_10 : vector<512x512xf32>
    %lt3A = arith.cmpf olt, %get3A_5, %mul3A_12 : vector<512x512xf32>
    %mul3A_13 = arith.constant 1.250000e+00 : f32
    %mul3A_14 = vector.broadcast %mul3A_13 : f32 to vector<512x512xf32>
    %mul3A_15 = arith.mulf %mul3A_14, %get3A_5 : vector<512x512xf32>
    %lt3A_16 = arith.cmpf olt, %get3A_10, %mul3A_15 : vector<512x512xf32>
    %and3A = arith.andi %lt3A, %lt3A_16 : vector<512x512xi1>
    %gt3A = arith.constant 0.000000e+00 : f32
    %gt3A_17 = vector.broadcast %gt3A : f32 to vector<512x512xf32>
    %gt3A_18 = arith.cmpf ogt, %get3A_10, %gt3A_17 : vector<512x512xf32>
    %jit3A = arith.constant 65536 : i32
    %jit3A_19 = arith.constant 0 : i32
    %broadcast_in_dim3A = vector.broadcast %jit3A : i32 to vector<512x512xi32>
    %broadcast_in_dim3A_20 = vector.broadcast %jit3A_19 : i32 to vector<512x512xi32>
    %select_n3A = arith.select %gt3A_18, %broadcast_in_dim3A, %broadcast_in_dim3A_20 : vector<512x512xi1>, vector<512x512xi32>
    %jit3A_21 = arith.constant 65537 : i32
    %broadcast_in_dim3A_22 = vector.broadcast %jit3A_21 : i32 to vector<512x512xi32>
    %select_n3A_23 = arith.select %and3A, %broadcast_in_dim3A_22, %select_n3A : vector<512x512xi1>, vector<512x512xi32>
    %get3A_24 = arith.constant 0 : index
    %get3A_25 = arith.constant 0 : index
    %get3A_26 = arith.constant 0 : index
    %get3A_27 = vector.load %arg3[%get3A_24, %get3A_25, %get3A_26] : memref<1x8x512xi32, #tpu.memory_space<vmem>>, vector<1x8x512xi32>
    %get3A_28 = vector.shape_cast %get3A_27 : vector<1x8x512xi32> to vector<8x512xi32>
    %reshape3A = vector.shape_cast %select_n3A_23 : vector<512x512xi32> to vector<64x8x512xi32>
    %reduce_sum3A = arith.constant dense<0> : vector<8x512xi32>
    %reduce_sum3A_29 = vector.multi_reduction <add>, %reshape3A, %reduce_sum3A [0] : vector<64x8x512xi32> to vector<8x512xi32>
    %add3A = arith.addi %get3A_28, %reduce_sum3A_29 : vector<8x512xi32>
    %swap3A = arith.constant 0 : index
    %swap3A_30 = arith.constant 0 : index
    %swap3A_31 = arith.constant 0 : index
    %swap3A_32 = vector.load %arg3[%swap3A, %swap3A_30, %swap3A_31] : memref<1x8x512xi32, #tpu.memory_space<vmem>>, vector<1x8x512xi32>
    %swap3A_33 = vector.shape_cast %swap3A_32 : vector<1x8x512xi32> to vector<8x512xi32>
    %swap3A_34 = vector.shape_cast %add3A : vector<8x512xi32> to vector<1x8x512xi32>
    tpu.vector_store %arg3[%swap3A, %swap3A_30, %swap3A_31], %swap3A_34 {strides = array<i32>} : memref<1x8x512xi32, #tpu.memory_space<vmem>>, vector<1x8x512xi32>,
    return
  }
  func.func @transform_0(%arg0: i32) -> (i32, i32, i32) {
    %jit3A = arith.constant 1 : i32
    %div3A = arith.divsi %arg0, %jit3A : i32
    %sign3A = arith.constant 0 : i32
    %sign3A_0 = arith.cmpi sgt, %arg0, %sign3A : i32
    %sign3A_1 = arith.extui %sign3A_0 : i1 to i32
    %sign3A_2 = arith.constant 0 : i32
    %sign3A_3 = arith.cmpi slt, %arg0, %sign3A_2 : i32
    %sign3A_4 = arith.extui %sign3A_3 : i1 to i32
    %sign3A_5 = arith.subi %sign3A_1, %sign3A_4 : i32
    %sign3A_6 = arith.constant 0 : i32
    %sign3A_7 = arith.cmpi sgt, %jit3A, %sign3A_6 : i32
    %sign3A_8 = arith.extui %sign3A_7 : i1 to i32
    %sign3A_9 = arith.constant 0 : i32
    %sign3A_10 = arith.cmpi slt, %jit3A, %sign3A_9 : i32
    %sign3A_11 = arith.extui %sign3A_10 : i1 to i32
    %sign3A_12 = arith.subi %sign3A_8, %sign3A_11 : i32
    %ne3A = arith.cmpi ne, %sign3A_5, %sign3A_12 : i32
    %rem3A = arith.remsi %arg0, %jit3A : i32
    %ne3A_13 = arith.constant 0 : i32
    %ne3A_14 = arith.cmpi ne, %rem3A, %ne3A_13 : i32
    %and3A = arith.andi %ne3A, %ne3A_14 : i1
    %sub3A = arith.constant 1 : i32
    %sub3A_15 = arith.subi %div3A, %sub3A : i32
    %select_n3A = arith.select %and3A, %sub3A_15, %div3A : i32
    %add3A = arith.constant 14 : i32
    %add3A_16 = arith.addi %select_n3A, %add3A : i32
    %jit3A_17 = arith.constant 1 : i32
    %eq3A = arith.constant 0 : i32
    %eq3A_18 = arith.cmpi eq, %jit3A_17, %eq3A : i32
    %jit3A_19 = arith.constant 1 : i32
    %select_n3A_20 = arith.select %eq3A_18, %jit3A_19, %jit3A_17 : i32
    %rem3A_21 = arith.remsi %arg0, %select_n3A_20 : i32
    %ne3A_22 = arith.constant 0 : i32
    %ne3A_23 = arith.cmpi ne, %rem3A_21, %ne3A_22 : i32
    %lt3A = arith.constant 0 : i32
    %lt3A_24 = arith.cmpi slt, %rem3A_21, %lt3A : i32
    %lt3A_25 = arith.constant 0 : i32
    %lt3A_26 = arith.cmpi slt, %select_n3A_20, %lt3A_25 : i32
    %ne3A_27 = arith.xori %lt3A_24, %lt3A_26 : i1
    %and3A_28 = arith.andi %ne3A_27, %ne3A_23 : i1
    %add3A_29 = arith.addi %rem3A_21, %select_n3A_20 : i32
    %select_n3A_30 = arith.select %and3A_28, %add3A_29, %rem3A_21 : i32
    %c0_i32 = arith.constant 0 : i32
    %c0_i32_31 = arith.constant 0 : i32
    return %add3A_16, %select_n3A_30, %c0_i32 : i32, i32, i32
  }
  func.func @transform_1(%arg0: i32) -> (i32, i32, i32) {
    %jit3A = arith.constant 1 : i32
    %div3A = arith.divsi %arg0, %jit3A : i32
    %sign3A = arith.constant 0 : i32
    %sign3A_0 = arith.cmpi sgt, %arg0, %sign3A : i32
    %sign3A_1 = arith.extui %sign3A_0 : i1 to i32
    %sign3A_2 = arith.constant 0 : i32
    %sign3A_3 = arith.cmpi slt, %arg0, %sign3A_2 : i32
    %sign3A_4 = arith.extui %sign3A_3 : i1 to i32
    %sign3A_5 = arith.subi %sign3A_1, %sign3A_4 : i32
    %sign3A_6 = arith.constant 0 : i32
    %sign3A_7 = arith.cmpi sgt, %jit3A, %sign3A_6 : i32
    %sign3A_8 = arith.extui %sign3A_7 : i1 to i32
    %sign3A_9 = arith.constant 0 : i32
    %sign3A_10 = arith.cmpi slt, %jit3A, %sign3A_9 : i32
    %sign3A_11 = arith.extui %sign3A_10 : i1 to i32
    %sign3A_12 = arith.subi %sign3A_8, %sign3A_11 : i32
    %ne3A = arith.cmpi ne, %sign3A_5, %sign3A_12 : i32
    %rem3A = arith.remsi %arg0, %jit3A : i32
    %ne3A_13 = arith.constant 0 : i32
    %ne3A_14 = arith.cmpi ne, %rem3A, %ne3A_13 : i32
    %and3A = arith.andi %ne3A, %ne3A_14 : i1
    %sub3A = arith.constant 1 : i32
    %sub3A_15 = arith.subi %div3A, %sub3A : i32
    %select_n3A = arith.select %and3A, %sub3A_15, %div3A : i32
    %add3A = arith.constant 14 : i32
    %add3A_16 = arith.addi %select_n3A, %add3A : i32
    %jit3A_17 = arith.constant 1 : i32
    %eq3A = arith.constant 0 : i32
    %eq3A_18 = arith.cmpi eq, %jit3A_17, %eq3A : i32
    %jit3A_19 = arith.constant 1 : i32
    %select_n3A_20 = arith.select %eq3A_18, %jit3A_19, %jit3A_17 : i32
    %rem3A_21 = arith.remsi %arg0, %select_n3A_20 : i32
    %ne3A_22 = arith.constant 0 : i32
    %ne3A_23 = arith.cmpi ne, %rem3A_21, %ne3A_22 : i32
    %lt3A = arith.constant 0 : i32
    %lt3A_24 = arith.cmpi slt, %rem3A_21, %lt3A : i32
    %lt3A_25 = arith.constant 0 : i32
    %lt3A_26 = arith.cmpi slt, %select_n3A_20, %lt3A_25 : i32
    %ne3A_27 = arith.xori %lt3A_24, %lt3A_26 : i1
    %and3A_28 = arith.andi %ne3A_27, %ne3A_23 : i1
    %add3A_29 = arith.addi %rem3A_21, %select_n3A_20 : i32
    %select_n3A_30 = arith.select %and3A_28, %add3A_29, %rem3A_21 : i32
    %c0_i32 = arith.constant 0 : i32
    %c0_i32_31 = arith.constant 0 : i32
    return %add3A_16, %select_n3A_30, %c0_i32 : i32, i32, i32
  }
  func.func @transform_2(%arg0: i32) -> (i32, i32, i32) {
    %c0_i32 = arith.constant 0 : i32
    %c0_i32_0 = arith.constant 0 : i32
    %c0_i32_1 = arith.constant 0 : i32
    %c0_i32_2 = arith.constant 0 : i32
    return %c0_i32, %c0_i32_0, %c0_i32_1 : i32, i32, i32
  }
}

</mosaic_0001>

<sc_bundles>
// kernel: kernel.4.cloned.1.call-start
scs
__scs_entry_jumppad:
0x0: {  	(pc) =	sbr.rel $0x88, $3  }
0x1: {  	(tag) =	ssettag $0x0;
	lr =	simm.s32 $0x1  }
0x2: {  	[smem:$0x3F9F] =	sst lr;
	_ =	strace $0xD0000000  }
0x3: {  	_ = 	snop  }
0x4: {  	_ = 	snop  }
0x5: {  	_ = 	snop  }
0x6: {  	_ = 	snop  }
0x7: {  	_ = 	snop  }
__scs_overlays_trampoline_lowered:
0x8: {  	[smem:$0x3FAE] =	sst s0  }
0x9: {  	[smem:$0x3FAF] =	sst s1  }
0xa: {  	[smem:$0x3FB0] =	sst s2  }
0xb: {  	[smem:$0x3FB1] =	sst s3  }
0xc: {  	[smem:$0x3FB2] =	sst s4  }
0xd: {  	[smem:$0x3FB3] =	sst s5  }
0xe: {  	[smem:$0x3FB4] =	sst s6  }
0xf: {  	[smem:$0x3FB5] =	sst s7  }
0x10: {  	[smem:$0x3FB6] =	sst s8  }
0x11: {  	[smem:$0x3FB7] =	sst s9;
	s0 =	simm.s32 @!p0 $0x0  }
0x12: {  	s1 =	sld [smem:$0x3F9D];
	s0 =	simm.s32 @p0 $0x1  }
0x13: {  	[smem:$0x3FB8] =	sst s0;
	s0 =	simm.s32 @!p1 $0x0  }
0x14: {  	s2 =	sld [smem:$0x3F9C];
	s0 =	simm.s32 @p1 $0x1  }
0x15: {  	[smem:$0x3FB9] =	sst s0;
	s0 =	simm.s32 @!p2 $0x0  }
0x16: {  	s3 =	sld [smem:$0x3FDB];
	s0 =	simm.s32 @p2 $0x1  }
0x17: {  	s4 =	simm.s32 $0x1BF5;
	[smem:$0x3FBB] =	sst s0  }
0x18: {  	s0 =	sld [smem:$0x3F9E];
	_ =	swait.ge [sflag:s4], $0x0  }
0x19: {  	s7 =	sld [smem:$0x3F9F]  }
0x1a: {  	s8 =	sadd.s32 $0xFFFFE003, lr  }
0x1b: {  	s9 =	sadd.s32 $0xFFFFFEF7, lr;
	s5 =	simm.s32 $0xFFFFFFFF;
	p2 =	slt.u32 s8, $0xFFFFF086  }
0x1c: {  	p1 =	slt.u32 s9, $0xF7A;
	s5 =	simm.s32 @!p2 $0x0  }
0x1d: {  	s5 =	simm.s32 @p1 $0x1;
	p0 =	seq.s32 s7, s2  }
0x1e: {  	s7 =	smul.u32 @!p0 $0xF7A, s2;
	p2 =	seq.s32 @!p0 s5, $0x0  }
0x1f: {  	s9 =	smul.u32 $0xF7A, s1;
	s8 =	simm.s32 @!p0 $0x1BF5;
	p2 =	por !p2, p0  }
0x20: {  	[sflag:s8] =	ssyncset.s32 @!p0 $0xFFFFF086;
	s6 =	sadd.s32 @!p0 s3, s7;
	s7 =	simm.s32 @!p0 $0x108  }
0x21: {  	s3 =	sadd.s32 s3, s9;
	s6 =	sadd.s32 @!p0 $0x88, s6;
	s7 =	simm.s32 @p2 $0x1082  }
0x22: {  	[simem:s7], [sflag:s8] =	dma.local @!p0 [hbm:s6], $0xF7A  }
0x23: {  	s9 =	sor.u32 $0xD0000000, s2;
	s6 =	simm.s32 $0x108;
	_ =	swait.ge @!p0 [sflag:s8], $0x0  }
0x24: {  	s3 =	sadd.s32 $0x88, s3;
	s6 =	simm.s32 @!p1 $0x1082;
	[sflag:s4] =	ssyncset.s32 $0xFFFFF086  }
0x25: {  	[simem:s6], [sflag:s4] =	dma.local [hbm:s3], $0xF7A  }
0x26: {  	[smem:$0x3F9F] =	sst s1;
	(tag) =	ssettag s2;
	_ =	strace s9  }
0x27: {  	s1 =	sld [smem:$0x3FAF]  }
0x28: {  	s2 =	sld [smem:$0x3FB0]  }
0x29: {  	s4 =	sld [smem:$0x3FB2]  }
0x2a: {  	p0 =	seq.s32 s5, $0x0;
	s5 =	sld [smem:$0x3FB3]  }
0x2b: {  	s6 =	sld [smem:$0x3FB4]  }
0x2c: {  	s7 =	sld [smem:$0x3FB5]  }
0x2d: {  	s3 =	simm.s32 $0x108;
	s8 =	sld [smem:$0x3FB6]  }
0x2e: {  	s3 =	simm.s32 @!p0 $0x1082;
	s9 =	sld [smem:$0x3FB7]  }
0x2f: {  	lr =	sadd.s32 s0, s3;
	s0 =	sld [smem:$0x3FAE]  }
0x30: {  	s3 =	sld [smem:$0x3FB1]  }
0x31: {  	[smem:$0x3FBA] =	sst s10  }
0x32: {  	s10 =	sld [smem:$0x3FB8];
	_ =	sdelay $0x3  }
0x33: {  	p0 =	seq.s32 s10, $0x1;
	s10 =	sld [smem:$0x3FBA];
	_ =	sdelay $0x3  }
0x34: {  	[smem:$0x3FBA] =	sst s10  }
0x35: {  	s10 =	sld [smem:$0x3FB9];
	_ =	sdelay $0x3  }
0x36: {  	p1 =	seq.s32 s10, $0x1;
	s10 =	sld [smem:$0x3FBA];
	_ =	sdelay $0x3  }
0x37: {  	[smem:$0x3FBA] =	sst s10  }
0x38: {  	s10 =	sld [smem:$0x3FBB]  }
0x39: {  	_ = 	snop;
	(pc) =	sbr.ind lr, $3  }
0x3a: {  	_ = 	snop  }
0x3b: {  	_ = 	snop  }
0x3c: {  	p2 =	seq.s32 s10, $0x1;
	s10 =	sld [smem:$0x3FBA]  }
0x3d: {  	_ =	shalt  }
0x3e: {  	_ =	shalt  }
0x3f: {  	_ =	shalt  }
0x40: {  	_ =	shalt  }
0x41: {  	_ =	shalt  }
0x42: {  	_ =	shalt  }
0x43: {  	_ =	shalt  }
0x44: {  	_ =	shalt  }
0x45: {  	_ =	shalt  }
0x46: {  	_ =	shalt  }
0x47: {  	_ =	shalt  }
0x48: {  	_ =	shalt  }
0x49: {  	_ =	shalt  }
0x4a: {  	_ =	shalt  }
0x4b: {  	_ =	shalt  }
0x4c: {  	_ =	shalt  }
0x4d: {  	_ =	shalt  }
0x4e: {  	_ =	shalt  }
0x4f: {  	_ =	shalt  }
0x50: {  	_ =	shalt  }
0x51: {  	_ =	shalt  }
0x52: {  	_ =	shalt  }
0x53: {  	_ =	shalt  }
0x54: {  	_ =	shalt  }
0x55: {  	_ =	shalt  }
0x56: {  	_ =	shalt  }
0x57: {  	_ =	shalt  }
0x58: {  	_ =	shalt  }
0x59: {  	_ =	shalt  }
0x5a: {  	_ =	shalt  }
0x5b: {  	_ =	shalt  }
0x5c: {  	_ =	shalt  }
0x5d: {  	_ =	shalt  }
0x5e: {  	_ =	shalt  }
0x5f: {  	_ =	shalt  }
0x60: {  	_ =	shalt  }
0x61: {  	_ =	shalt  }
0x62: {  	_ =	shalt  }
0x63: {  	_ =	shalt  }
0x64: {  	_ =	shalt  }
0x65: {  	_ =	shalt  }
0x66: {  	_ =	shalt  }
0x67: {  	_ =	shalt  }
0x68: {  	_ =	shalt  }
0x69: {  	_ =	shalt  }
0x6a: {  	_ =	shalt  }
0x6b: {  	_ =	shalt  }
0x6c: {  	_ =	shalt  }
0x6d: {  	_ =	shalt  }
0x6e: {  	_ =	shalt  }
0x6f: {  	_ =	shalt  }
0x70: {  	_ =	shalt  }
0x71: {  	_ =	shalt  }
0x72: {  	_ =	shalt  }
0x73: {  	_ =	shalt  }
0x74: {  	_ =	shalt  }
0x75: {  	_ =	shalt  }
0x76: {  	_ =	shalt  }
0x77: {  	_ =	shalt  }
0x78: {  	_ =	shalt  }
0x79: {  	_ =	shalt  }
0x7a: {  	_ =	shalt  }
0x7b: {  	_ =	shalt  }
0x7c: {  	_ =	shalt  }
0x7d: {  	_ =	shalt  }
0x7e: {  	_ =	shalt  }
0x7f: {  	_ =	shalt  }
0x80: {  	_ =	shalt  }
0x81: {  	_ =	shalt  }
0x82: {  	_ =	shalt  }
0x83: {  	_ =	shalt  }
0x84: {  	_ =	shalt  }
0x85: {  	_ =	shalt  }
0x86: {  	_ =	shalt  }
0x87: {  	_ =	shalt  }
.Lfunc_end0:
.L_simem_size_0:
called_computation_lowered:
.L_overlay_start_0:
0x88: {  	s2 =	sld [smem:$0x3FD9]  }
0x89: {  	s3 =	sld [smem:$0x3FFE];
	_ =	sdelay $0x1  }
0x8a: {  	s1 =	srdreg.scid  }
0x8b: {  	s0 =	sand.u32 $0x1, s1  }
0x8c: {  	s17 =	sshll.u32 s0, $0xA;
	s2 =	sadd.s32 s3, s2  }
0x8d: {  	s2 =	sadd.s32 s2, s17  }
0x8e: {  	[smem:$0x3FC6] =	sst s2  }
0x8f: {  	_ = 	snop  }
0x90: {  	s2 =	sld [smem:$0x3FC9]  }
0x91: {  	s18 =	sld [smem:$0x3FC8];
	(tm) =	ssettm $0x1  }
0x92: {  	s4 =	sld [smem:$0x3FFB];
	_ =	sdelay $0x3  }
0x93: {  	_ =	strace s4  }
0x94: {  	s4 =	sld [smem:$0x3FFC];
	_ =	sdelay $0x3  }
0x95: {  	_ =	strace s4  }
0x96: {  	s4 =	sld [smem:$0x3FFD];
	_ =	sdelay $0x3  }
0x97: {  	_ =	strace s4  }
0x98: {  	_ =	strace $0x8FFFFFFF  }
0x99: {  	s19 =	sld [smem:$0x3FDB];
	_ =	sdelay $0x1  }
0x9a: {  	s5 =	simm.s32 $_scs_section_size  }
0x9b: {  	s6 =	simm.s32 $_size__tile_overlayer_lowered;
	s7 =	simm.s32 $_tile_overlayer_lowered  }
0x9c: {  	s22 =	simm.s32 $0x1BFF;
	s21 =	sshll.u32 s7, $0x1;
	s4 =	sadd.s32 s5, s19  }
0x9d: {  	s8 =	simm.s32 $0x0;
	s20 =	sshll.u32 s6, $0x1;
	s6 =	sadd.s32 s21, s4  }
0x9e: {  	[timem:s8], [sflag:s22] =	dma.local [hbm:s6], s20  }
0x9f: {  	_ =	swait.ge [sflag:s22], s20  }
0xa0: {  	s5 =	ssub.s32 $0x0, s20;
	[sflag:s22] =	ssyncset.done $0x0  }
0xa1: {  	[sflag:s22] =	ssyncadd.s32 s5;
	_ =	sdelay $0x1  }
0xa2: {  	s23 =	simm.s32 $0x1B8B  }
0xa3: {  	_ =	swait.ge [sflag:s23], $0x1  }
0xa4: {  	[sflag:s23] =	ssyncset.done $0x0  }
0xa5: {  	s25 =	simm.s32 $0x1B8E;
	s24 =	sld [smem:$0x3FFE];
	[sflag:s23] =	ssyncadd.s32 $0xFFFFFFFF  }
0xa6: {  	s26 =	simm.s32 $execute0_lowered;
	[smem:$0x3FD2] =	sst s25  }
0xa7: {  	s6 =	sshll.u32 s26, $0x1;
	_ =	strace $0x80000046;
	[dreg:$0x1] =	wrdreg $0xFFFFFFFF  }
0xa8: {  	s28 =	simm.s32 $_size_execute0_lowered;
	s4 =	sadd.s32 s4, s6;
	[dreg:$0x0] =	wrdreg $0x0  }
0xa9: {  	s6 =	sshll.u32 s28, $0x1;
	[dreg:$0x2] =	wrdreg s4  }
0xaa: {  	[dreg:$0x3] =	wrdreg s6  }
0xab: {  	[dreg:$0x4] =	wrdreg $0xC0  }
0xac: {  	_ =	task [dreg:s8], $0x5FFFF  }
0xad: {  	[dreg:$0x1] =	wrdreg $0xFFFFFFFF  }
0xae: {  	[dreg:$0x0] =	wrdreg $0x60  }
0xaf: {  	[dreg:$0x2] =	wrdreg s2  }
0xb0: {  	[dreg:$0x3] =	wrdreg s18  }
0xb1: {  	[dreg:$0x4] =	wrdreg s24  }
0xb2: {  	[dreg:$0x5] =	wrdreg $0x9  }
0xb3: {  	_ =	task.clear_ibuf [dreg:s8], $0x6FFFF;
	_ =	strace $0x90000046  }
0xb4: {  	s29 =	simm.s32 $0x9;
	_ =	strace $0x80000048  }
0xb5: {  	_ =	swait.ge [sflag:s29], $0x1  }
0xb6: {  	[sflag:s29] =	ssyncadd.s32 $0xFFFFFFFF  }
0xb7: {  	_ =	strace $0x90000048  }
0xb8: {  	_ =	sfence  }
0xb9: {  	s30 =	sld [smem:$0x0];
	_ =	sdelay $0x2  }
0xba: {  	s31 =	sshll.u32 s1, $0xD;
	s1 =	sshrl.u32 s1, $0x2  }
0xbb: {  	s3 =	sand.u32 $0x4000, s31;
	s1 =	sadd.s32 s1, s30  }
0xbc: {  	s0 =	sor.u32 s3, s0;
	s1 =	sshll.u32 s1, $0x11  }
0xbd: {  	s0 =	sor.u32 s1, s0  }
0xbe: {  	s0 =	sadd.s32 $0x8F2B, s0  }
0xbf: {  	[sflag:s0] =	ssyncadd.remote.s32 $0x1  }
0xc0: {  	_ =	sfence.sel $0xFFFF  }
0xc1: {  	[dreg:$0x0] =	wrdreg $0xFFFFFFFF;
	(pc) =	sbr.abs _section_cstart, $3  }
0xc2: {  	[dreg:$0x1] =	wrdreg $0xFFFFFFFF  }
0xc3: {  	_ =	task.clear_ibuf [dreg:s8], $0x2FFFF;
	_ =	strace $0x9FFFFFFF  }
0xc4: {  	(tm) =	ssettm $0x7FFFFFFF  }
0xc5: {  	_ =	shalt  }
tec
execute0_lowered:
.L_overlay_start_1:
0x0: {  	(tag) =	ssettag $0x1  }
0x1: {  	s1 =	rddreg [dreg:$0x0]  }
0x2: {  	s3 =	rddreg [dreg:$0x1]  }
0x3: {  	s2 =	srdreg.scid;
	s0 =	stileid.u32  }
0x4: {  	s11 =	rddreg [dreg:$0x2];
	s4 =	simm.s32 $0x0;
	s14 =	simm.s32 $0x4000  }
0x5: {  	s15 =	simm.s32 $0xC000;
	s16 =	simm.s32 $0x1;
	s17 =	simm.s32 $0x2  }
0x6: {  	s18 =	simm.s32 $0x10000;
	s5 =	sand.u32 $0x1, s2;
	s6 =	sshll.u32 s0, $0x1  }
0x7: {  	s19 =	simm.s32 $0x3;
	s2 =	rddreg [dreg:$0x3];
	s9 =	sor.u32 s5, s6  }
0x8: {  	s20 =	simm.s32 $0x0;
	[smem:$0x7FF] =	sst s4;
	s6 =	smul.u32 $0x1C000, s9  }
0x9: {  	s5 =	ssub.s32 $0x2, s5;
	_ =	strace $0x80000047;
	s8 =	smul.u32 $0x3800, s9  }
0xa: {  	s7 =	sshrl.u32 s5, $0x1;
	s10 =	smul.u32 $0xE0, s9;
	s13 =	sshll.u32 s9, $0x4  }
0xb: {  	s12 =	ssub.s32 s5, s7;
	s11 =	sadd.s32 s11, s13;
	s13 =	simm.s32 $0x8000  }
0xc: {  	s30 =	sshrl.u32 s6, $0x3;
	s5 =	sadd.s32 s1, s8;
	s6 =	sadd.s32 s3, s8  }
0xd: {  	s9 =	sadd.s32 $0x40, s10;
	s10 =	sadd.s32 $0x60, s10;
	s31 =	sadd.s32 $0x800, s30  }
0xe: {  	v0 =	vimm.s32 $0x0;
	s12 =	smax.u32 s12, $0x1;
	s7 =	sadd.s32 s1, s31;
	s8 =	sadd.s32 s3, s31  }
.LBB2_1:
0xf: {  	[tilespmem:s4], [sflag:$0x1] =	stream.linear.gather [hbm4b:s5+s4], $0x4000, $0x38;
	[tilespmem:$0x10080] =	vst v63  }
0x10: {  	_ = 	snop  }
0x11: {  	[tilespmem:s13], [sflag:$0x1] =	stream.linear.gather [hbm4b:s6+s4], $0x4000, $0x38;
	[tilespmem:$0x10080] =	vst v63  }
0x12: {  	_ = 	snop  }
0x13: {  	[tilespmem:s14], [sflag:$0x2] =	stream.linear.gather [hbm4b:s7+s4], $0x4000, $0x38;
	[tilespmem:$0x10080] =	vst v63  }
0x14: {  	v1 =	vimm.s32 $0x0;
	s21 =	simm.s32 $0x0  }
0x15: {  	v4 =	vimm.s32 $0x0;
	v2 =	vimm.s32 $0x0;
	v3 =	vimm.s32 $0x0;
	[tilespmem:s15], [sflag:$0x2] =	stream.linear.gather [hbm4b:s8+s4], $0x4000, $0x38;
	[tilespmem:$0x10080] =	vst v63  }
.LBB2_2:
0x16: {  	_ =	swait.ge [sflag:s16], $0x4000  }
0x17: {  	[sflag:s16] =	ssyncset.done $0x0  }
0x18: {  	s22 =	simm.s32 $0x0;
	[sflag:s16] =	ssyncadd.s32 $0xFFFFC000  }
0x19: {  	s23 =	sand.u32 $0x3000, s22;
	s24 =	sand.u32 $0xC00, s22;
	_ =	swait.ge [sflag:s16], $0x4000  }
0x1a: {  	s22 =	sand.u32 $0x380, s22;
	s23 =	sor.u32 s24, s23;
	[sflag:s16] =	ssyncset.done $0x0  }
0x1b: {  	s22 =	sor.u32 s22, s23;
	[sflag:s16] =	ssyncadd.s32 $0xFFFFC000  }
0x1c: {  	v6 =	vld [tilespmem:s22+$0x50]  }
0x1d: {  	v5 =	vld [tilespmem:s22+$0x8050]  }
0x1e: {  	v18 =	vld [tilespmem:s22+$0x8060]  }
0x1f: {  	v22 =	vld [tilespmem:s22+$0x40]  }
0x20: {  	v15 =	vld [tilespmem:s22+$0x70]  }
0x21: {  	v8 =	vld [tilespmem:s22+$0x8070]  }
0x22: {  	v17 =	vld [tilespmem:s22+$0x60]  }
0x23: {  	v23 =	vld [tilespmem:s22+$0x8010]  }
0x24: {  	v16 =	vld [tilespmem:s22+$0x20]  }
0x25: {  	v24 =	vld [tilespmem:s22+$0x10]  }
0x26: {  	v12 =	vld [tilespmem:s22+$0x8000]  }
0x27: {  	v9 =	vmul.f32 $1.250000000e+00, v5;
	vm1 =	vgt.f32 v5, $0.0e+00;
	v13 =	vmul.f32 $1.250000000e+00, v6  }
0x28: {  	v7 =	vld [tilespmem:s22+$0x8020];
	v19 =	vmul.f32 $1.250000000e+00, v18;
	vm2 =	vgt.f32 v18, $0.0e+00;
	v11 =	vmul.f32 $1.250000000e+00, v22  }
0x29: {  	v20 =	vmul.f32 $1.250000000e+00, v8;
	vm3 =	vgt.f32 v8, $0.0e+00;
	v26 =	vmul.f32 $1.250000000e+00, v17  }
0x2a: {  	vm4 =	vgt.f32 v23, $0.0e+00;
	v21 =	vmul.f32 $1.250000000e+00, v16;
	v27 =	vmul.f32 $1.250000000e+00, v24  }
0x2b: {  	vm6 =	vgt.f32 v12, $0.0e+00;
	vm0 =	vlt.f32 v6, v9;
	v9 =	vld [tilespmem:s22+$0x8040];
	v6 =	vmul.f32 $1.250000000e+00, v15  }
0x2c: {  	v10 =	vsel vm1, $0x10000, v0;
	v14 =	vsel vm3, $0x10000, v0;
	vm3 =	vlt.f32 v15, v20;
	v15 =	vld [tilespmem:s22+$0x30]  }
0x2d: {  	v28 =	vsel vm4, $0x10000, v0;
	vm4 =	vgt.f32 v7, $0.0e+00;
	vm1 =	vlt.f32 v8, v6;
	v8 =	vld [tilespmem:s22+$0x8030]  }
0x2e: {  	v6 =	vsel vm2, $0x10000, v0;
	vm2 =	vlt.f32 v17, v19;
	v17 =	vmul.f32 $1.250000000e+00, v23  }
0x2f: {  	v20 =	vsel vm4, $0x10000, v0;
	vm7 =	vlt.f32 v23, v27;
	v19 =	vmul.f32 $1.250000000e+00, v7  }
0x30: {  	v23 =	vld [tilespmem:s22+$0x0];
	vm3 =	vmand vm1, vm3;
	vm5 =	vlt.f32 v24, v17;
	v25 =	vmul.f32 $1.250000000e+00, v9  }
0x31: {  	vm1 =	vgt.f32 v9, $0.0e+00;
	vm7 =	vmand vm7, vm5;
	vm5 =	vlt.f32 v18, v26  }
0x32: {  	v18 =	vsel vm6, $0x10000, v0;
	v24 =	vmul.f32 $1.250000000e+00, v15;
	v17 =	vmul.f32 $1.250000000e+00, v8  }
0x33: {  	s25 =	simm.s32 $0x400;
	s23 =	simm.s32 $0x80;
	s22 =	simm.s32 $0x20;
	vm4 =	vlt.f32 v22, v25;
	v25 =	vmul.f32 $1.250000000e+00, v12;
	v22 =	vsel vm7, $0x10001, v28  }
.LBB2_3:
0x34: {  	s24 =	smov.u32 s25  }
0x35: {  	s26 =	sand.u32 $0x3000, s23;
	s28 =	sand.u32 $0xC00, s25;
	vm6 =	vlt.f32 v23, v25;
	v23 =	vmul.f32 $1.250000000e+00, v23;
	vm8 =	vlt.f32 v5, v13;
	s24 =	sadd.s32 $0x400, s25  }
0x36: {  	p0 =	sne.s32 s25, $0x1FC00;
	vm9 =	vlt.f32 v16, v19;
	vm10 =	vlt.f32 v7, v21;
	s26 =	sor.u32 s28, s26;
	s28 =	sand.u32 $0x380, s22;
	vm7 =	vlt.f32 v8, v24  }
0x37: {  	vm9 =	vmand vm10, vm9;
	vm10 =	vlt.f32 v9, v11;
	vm0 =	vmand vm8, vm0;
	s25 =	sor.u32 s28, s26  }
0x38: {  	vm2 =	vmand vm5, vm2;
	v7 =	vsel vm9, $0x10001, v20;
	vm4 =	vmand vm10, vm4;
	v9 =	vld [tilespmem:s25+$0x50]  }
0x39: {  	v2 =	vadd.s32 v2, v22;
	v14 =	vsel vm3, $0x10001, v14;
	v10 =	vsel vm0, $0x10001, v10;
	v5 =	vld [tilespmem:s25+$0x8050]  }
0x3a: {  	vm3 =	vgt.f32 v8, $0.0e+00;
	vm0 =	vlt.f32 v12, v23;
	v2 =	vadd.s32 v10, v2;
	v22 =	vld [tilespmem:s25+$0x8060]  }
0x3b: {  	v8 =	vsel vm3, $0x10000, v0;
	vm0 =	vmand vm0, vm6;
	v10 =	vsel vm1, $0x10000, v0;
	v24 =	vld [tilespmem:s25+$0x40]  }
0x3c: {  	v4 =	vadd.s32 v4, v7;
	v11 =	vsel vm0, $0x10001, v18;
	vm0 =	vlt.f32 v15, v17;
	v19 =	vld [tilespmem:s25+$0x70]  }
0x3d: {  	v6 =	vsel vm2, $0x10001, v6;
	v15 =	vsel vm4, $0x10001, v10;
	vm0 =	vmand vm7, vm0;
	v12 =	vld [tilespmem:s25+$0x8070]  }
0x3e: {  	v8 =	vsel vm0, $0x10001, v8;
	v7 =	vld [tilespmem:s25+$0x8020];
	v10 =	vmul.f32 $1.250000000e+00, v5;
	vm1 =	vgt.f32 v5, $0.0e+00  }
0x3f: {  	v3 =	vadd.s32 v3, v11;
	v13 =	vmul.f32 $1.250000000e+00, v9;
	v17 =	vld [tilespmem:s25+$0x60];
	v18 =	vmul.f32 $1.250000000e+00, v22  }
0x40: {  	v4 =	vadd.s32 v6, v4;
	vm2 =	vgt.f32 v22, $0.0e+00;
	v25 =	vld [tilespmem:s25+$0x8010];
	vm0 =	vlt.f32 v9, v10  }
0x41: {  	v1 =	vadd.s32 v1, v8;
	v11 =	vmul.f32 $1.250000000e+00, v24;
	v9 =	vld [tilespmem:s25+$0x8040];
	v6 =	vmul.f32 $1.250000000e+00, v19  }
0x42: {  	v1 =	vadd.s32 v14, v1;
	v16 =	vld [tilespmem:s25+$0x20];
	v20 =	vmul.f32 $1.250000000e+00, v12;
	vm3 =	vgt.f32 v12, $0.0e+00  }
0x43: {  	v3 =	vadd.s32 v15, v3;
	v10 =	vsel vm1, $0x10000, v0;
	v26 =	vld [tilespmem:s25+$0x10];
	vm1 =	vlt.f32 v12, v6  }
0x44: {  	v6 =	vsel vm2, $0x10000, v0;
	v14 =	vsel vm3, $0x10000, v0;
	v8 =	vld [tilespmem:s25+$0x8030];
	v27 =	vmul.f32 $1.250000000e+00, v17  }
0x45: {  	vm2 =	vlt.f32 v17, v18;
	vm3 =	vlt.f32 v19, v20;
	v12 =	vld [tilespmem:s25+$0x8000];
	vm4 =	vgt.f32 v25, $0.0e+00  }
0x46: {  	v19 =	vmul.f32 $1.250000000e+00, v7;
	vm3 =	vmand vm1, vm3;
	v18 =	vmul.f32 $1.250000000e+00, v9  }
0x47: {  	v17 =	vmul.f32 $1.250000000e+00, v25;
	vm1 =	vgt.f32 v9, $0.0e+00;
	v21 =	vmul.f32 $1.250000000e+00, v16;
	v15 =	vld [tilespmem:s25+$0x30]  }
.Ltmp0:
0x48: {  	v29 =	vsel vm4, $0x10000, v0;
	vm4 =	vgt.f32 v7, $0.0e+00;
	v23 =	vld [tilespmem:s25+$0x0];
	v28 =	vmul.f32 $1.250000000e+00, v26;
	(pc) =	sbr.rel @p0 .LBB2_3-.Ltmp0, $4  }
0x49: {  	v20 =	vsel vm4, $0x10000, v0;
	vm5 =	vlt.f32 v26, v17;
	v17 =	vmul.f32 $1.250000000e+00, v8  }
0x4a: {  	vm4 =	vlt.f32 v24, v18;
	vm6 =	vgt.f32 v12, $0.0e+00;
	vm7 =	vlt.f32 v25, v28  }
0x4b: {  	v25 =	vmul.f32 $1.250000000e+00, v12;
	vm7 =	vmand vm7, vm5;
	vm5 =	vlt.f32 v22, v27  }
0x4c: {  	s23 =	sadd.s32 $0x80, s23;
	s22 =	sadd.s32 $0x20, s22;
	s25 =	smov.u32 s24;
	v18 =	vsel vm6, $0x10000, v0;
	v22 =	vsel vm7, $0x10001, v29;
	v24 =	vmul.f32 $1.250000000e+00, v15  }
0x4d: {  	s22 =	sshll.u32 s21, $0x6  }
0x4e: {  	s23 =	sadd.s32 s22, s9  }
0x4f: {  	s23 =	sshll.u32 s23, $0x6  }
0x50: {  	s23 =	sand.u32 $0xFFFF800, s23  }
0x51: {  	s25 =	simm.s32 $0x0;
	s24 =	sadd.s32 s1, s23  }
0x52: {  	[tilespmem:s25], [sflag:$0x1] =	stream.linear.gather [hbm4b:s24+s25], $0x4000, $0x38;
	[tilespmem:$0x10080] =	vst v63  }
0x53: {  	s23 =	sadd.s32 s3, s23  }
0x54: {  	[tilespmem:s13], [sflag:$0x1] =	stream.linear.gather [hbm4b:s23+s25], $0x4000, $0x38;
	[tilespmem:$0x10080] =	vst v63  }
0x55: {  	_ =	swait.ge [sflag:s17], $0x4000  }
0x56: {  	[sflag:s17] =	ssyncset.done $0x0  }
0x57: {  	[sflag:s17] =	ssyncadd.s32 $0xFFFFC000  }
0x58: {  	s29 =	sand.u32 $0x3000, s25;
	s30 =	sand.u32 $0xC00, s25;
	_ =	swait.ge [sflag:s17], $0x4000  }
0x59: {  	s31 =	sand.u32 $0x380, s25;
	s23 =	sor.u32 s30, s29;
	[sflag:s17] =	ssyncset.done $0x0  }
0x5a: {  	vm6 =	vlt.f32 v23, v25;
	v23 =	vmul.f32 $1.250000000e+00, v23;
	vm7 =	vlt.f32 v5, v13;
	s23 =	sor.u32 s31, s23;
	[sflag:s17] =	ssyncadd.s32 $0xFFFFC000  }
0x5b: {  	vm8 =	vlt.f32 v16, v19;
	vm9 =	vlt.f32 v7, v21;
	vm15 =	vlt.f32 v9, v11;
	v9 =	vld [tilespmem:s23+$0x4050]  }
0x5c: {  	vm2 =	vmand vm5, vm2;
	v2 =	vadd.s32 v2, v22;
	v11 =	vsel vm3, $0x10001, v14;
	v5 =	vld [tilespmem:s23+$0xC050]  }
0x5d: {  	vm3 =	vgt.f32 v8, $0.0e+00;
	vm10 =	vlt.f32 v8, v24;
	vm0 =	vmand vm7, vm0;
	v22 =	vld [tilespmem:s23+$0xC060]  }
0x5e: {  	vm8 =	vmand vm9, vm8;
	v10 =	vsel vm0, $0x10001, v10;
	vm0 =	vlt.f32 v12, v23;
	v23 =	vld [tilespmem:s23+$0x4040]  }
0x5f: {  	vm4 =	vmand vm15, vm4;
	v8 =	vsel vm3, $0x10000, v0;
	vm3 =	vlt.f32 v15, v17;
	v13 =	vld [tilespmem:s23+$0xC070]  }
0x60: {  	v6 =	vsel vm2, $0x10001, v6;
	v7 =	vsel vm8, $0x10001, v20;
	vm0 =	vmand vm0, vm6;
	v17 =	vld [tilespmem:s23+$0x4060]  }
0x61: {  	v2 =	vadd.s32 v10, v2;
	v12 =	vsel vm0, $0x10001, v18;
	vm0 =	vmand vm10, vm3;
	v18 =	vld [tilespmem:s23+$0xC010]  }
0x62: {  	v10 =	vsel vm1, $0x10000, v0;
	v4 =	vadd.s32 v4, v7;
	v7 =	vsel vm0, $0x10001, v8;
	v8 =	vld [tilespmem:s23+$0xC040]  }
0x63: {  	v10 =	vsel vm4, $0x10001, v10;
	v3 =	vadd.s32 v3, v12;
	v1 =	vadd.s32 v1, v7;
	v21 =	vld [tilespmem:s23+$0x4010]  }
0x64: {  	v4 =	vadd.s32 v6, v4;
	v3 =	vadd.s32 v10, v3;
	v1 =	vadd.s32 v11, v1;
	v15 =	vld [tilespmem:s23+$0x4070]  }
0x65: {  	v7 =	vld [tilespmem:s23+$0xC020];
	v6 =	vmul.f32 $1.250000000e+00, v5;
	vm1 =	vgt.f32 v5, $0.0e+00;
	v11 =	vmul.f32 $1.250000000e+00, v9  }
0x66: {  	v16 =	vld [tilespmem:s23+$0x4020];
	v19 =	vmul.f32 $1.250000000e+00, v22;
	vm2 =	vgt.f32 v22, $0.0e+00;
	v12 =	vmul.f32 $1.250000000e+00, v23  }
0x67: {  	v20 =	vmul.f32 $1.250000000e+00, v13;
	vm3 =	vgt.f32 v13, $0.0e+00;
	v24 =	vmul.f32 $1.250000000e+00, v17  }
0x68: {  	vm4 =	vgt.f32 v18, $0.0e+00;
	v25 =	vmul.f32 $1.250000000e+00, v8;
	v26 =	vmul.f32 $1.250000000e+00, v21  }
0x69: {  	v10 =	vsel vm1, $0x10000, v0;
	vm0 =	vlt.f32 v9, v6;
	v6 =	vmul.f32 $1.250000000e+00, v15;
	v9 =	vld [tilespmem:s23+$0xC030]  }
0x6a: {  	v14 =	vsel vm3, $0x10000, v0;
	v27 =	vsel vm4, $0x10000, v0;
	vm3 =	vlt.f32 v15, v20;
	v15 =	vld [tilespmem:s23+$0x4030]  }
0x6b: {  	vm4 =	vgt.f32 v7, $0.0e+00;
	v20 =	vmul.f32 $1.250000000e+00, v16;
	vm1 =	vlt.f32 v13, v6;
	v13 =	vld [tilespmem:s23+$0xC000]  }
0x6c: {  	v6 =	vsel vm2, $0x10000, v0;
	vm2 =	vlt.f32 v17, v19;
	v17 =	vmul.f32 $1.250000000e+00, v18  }
0x6d: {  	vm7 =	vlt.f32 v18, v26;
	v19 =	vmul.f32 $1.250000000e+00, v7;
	vm3 =	vmand vm1, vm3  }
0x6e: {  	vm5 =	vlt.f32 v21, v17;
	v21 =	vsel vm4, $0x10000, v0;
	vm4 =	vlt.f32 v23, v25;
	v23 =	vld [tilespmem:s23+$0x4000]  }
0x6f: {  	vm1 =	vgt.f32 v8, $0.0e+00;
	v17 =	vmul.f32 $1.250000000e+00, v9;
	vm7 =	vmand vm7, vm5  }
0x70: {  	vm5 =	vlt.f32 v22, v24;
	v24 =	vmul.f32 $1.250000000e+00, v15;
	vm6 =	vgt.f32 v13, $0.0e+00  }
0x71: {  	s26 =	simm.s32 $0x400;
	s24 =	simm.s32 $0x80;
	s23 =	simm.s32 $0x20;
	v22 =	vsel vm7, $0x10001, v27;
	v25 =	vmul.f32 $1.250000000e+00, v13;
	v18 =	vsel vm6, $0x10000, v0  }
.LBB2_5:
0x72: {  	s25 =	smov.u32 s26  }
0x73: {  	s28 =	sand.u32 $0x3000, s24;
	s29 =	sand.u32 $0xC00, s26;
	vm6 =	vlt.f32 v23, v25;
	v23 =	vmul.f32 $1.250000000e+00, v23;
	vm8 =	vlt.f32 v5, v11;
	s25 =	sadd.s32 $0x400, s26  }
0x74: {  	p0 =	sne.s32 s26, $0x1FC00;
	vm9 =	vlt.f32 v16, v19;
	vm10 =	vlt.f32 v7, v20;
	s28 =	sor.u32 s29, s28;
	s29 =	sand.u32 $0x380, s23;
	vm7 =	vlt.f32 v9, v24  }
0x75: {  	vm9 =	vmand vm10, vm9;
	vm10 =	vlt.f32 v8, v12;
	vm0 =	vmand vm8, vm0;
	s26 =	sor.u32 s29, s28  }
0x76: {  	vm2 =	vmand vm5, vm2;
	v7 =	vsel vm9, $0x10001, v21;
	vm4 =	vmand vm10, vm4;
	v8 =	vld [tilespmem:s26+$0x4050]  }
0x77: {  	v2 =	vadd.s32 v2, v22;
	v14 =	vsel vm3, $0x10001, v14;
	v10 =	vsel vm0, $0x10001, v10;
	v5 =	vld [tilespmem:s26+$0xC050]  }
0x78: {  	vm3 =	vgt.f32 v9, $0.0e+00;
	vm0 =	vlt.f32 v13, v23;
	v2 =	vadd.s32 v10, v2;
	v22 =	vld [tilespmem:s26+$0xC060]  }
0x79: {  	v9 =	vsel vm3, $0x10000, v0;
	vm0 =	vmand vm0, vm6;
	v10 =	vsel vm1, $0x10000, v0;
	v24 =	vld [tilespmem:s26+$0x4040]  }
0x7a: {  	v4 =	vadd.s32 v4, v7;
	v12 =	vsel vm0, $0x10001, v18;
	vm0 =	vlt.f32 v15, v17;
	v19 =	vld [tilespmem:s26+$0x4070]  }
0x7b: {  	v6 =	vsel vm2, $0x10001, v6;
	v15 =	vsel vm4, $0x10001, v10;
	vm0 =	vmand vm7, vm0;
	v13 =	vld [tilespmem:s26+$0xC070]  }
0x7c: {  	v9 =	vsel vm0, $0x10001, v9;
	v7 =	vld [tilespmem:s26+$0xC020];
	v10 =	vmul.f32 $1.250000000e+00, v5;
	vm1 =	vgt.f32 v5, $0.0e+00  }
0x7d: {  	v3 =	vadd.s32 v3, v12;
	v11 =	vmul.f32 $1.250000000e+00, v8;
	v17 =	vld [tilespmem:s26+$0x4060];
	v18 =	vmul.f32 $1.250000000e+00, v22  }
0x7e: {  	v4 =	vadd.s32 v6, v4;
	vm2 =	vgt.f32 v22, $0.0e+00;
	v25 =	vld [tilespmem:s26+$0xC010];
	vm0 =	vlt.f32 v8, v10  }
0x7f: {  	v1 =	vadd.s32 v1, v9;
	v12 =	vmul.f32 $1.250000000e+00, v24;
	v8 =	vld [tilespmem:s26+$0xC040];
	v6 =	vmul.f32 $1.250000000e+00, v19  }
0x80: {  	v1 =	vadd.s32 v14, v1;
	v16 =	vld [tilespmem:s26+$0x4020];
	v20 =	vmul.f32 $1.250000000e+00, v13;
	vm3 =	vgt.f32 v13, $0.0e+00  }
0x81: {  	v3 =	vadd.s32 v15, v3;
	v10 =	vsel vm1, $0x10000, v0;
	v21 =	vld [tilespmem:s26+$0x4010];
	vm1 =	vlt.f32 v13, v6  }
0x82: {  	v6 =	vsel vm2, $0x10000, v0;
	v14 =	vsel vm3, $0x10000, v0;
	v9 =	vld [tilespmem:s26+$0xC030];
	v26 =	vmul.f32 $1.250000000e+00, v17  }
0x83: {  	vm2 =	vlt.f32 v17, v18;
	vm3 =	vlt.f32 v19, v20;
	v13 =	vld [tilespmem:s26+$0xC000];
	vm4 =	vgt.f32 v25, $0.0e+00  }
0x84: {  	v19 =	vmul.f32 $1.250000000e+00, v7;
	vm3 =	vmand vm1, vm3;
	v18 =	vmul.f32 $1.250000000e+00, v8  }
0x85: {  	v17 =	vmul.f32 $1.250000000e+00, v25;
	vm1 =	vgt.f32 v8, $0.0e+00;
	v20 =	vmul.f32 $1.250000000e+00, v16;
	v15 =	vld [tilespmem:s26+$0x4030]  }
.Ltmp1:
0x86: {  	v28 =	vsel vm4, $0x10000, v0;
	vm4 =	vgt.f32 v7, $0.0e+00;
	v23 =	vld [tilespmem:s26+$0x4000];
	v27 =	vmul.f32 $1.250000000e+00, v21;
	(pc) =	sbr.rel @p0 .LBB2_5-.Ltmp1, $4  }
0x87: {  	vm5 =	vlt.f32 v21, v17;
	v21 =	vsel vm4, $0x10000, v0;
	v17 =	vmul.f32 $1.250000000e+00, v9  }
0x88: {  	vm4 =	vlt.f32 v24, v18;
	vm6 =	vgt.f32 v13, $0.0e+00;
	vm7 =	vlt.f32 v25, v27  }
0x89: {  	v25 =	vmul.f32 $1.250000000e+00, v13;
	vm7 =	vmand vm7, vm5;
	vm5 =	vlt.f32 v22, v26  }
0x8a: {  	s24 =	sadd.s32 $0x80, s24;
	s23 =	sadd.s32 $0x20, s23;
	s26 =	smov.u32 s25;
	v18 =	vsel vm6, $0x10000, v0;
	v22 =	vsel vm7, $0x10001, v28;
	v24 =	vmul.f32 $1.250000000e+00, v15  }
0x8b: {  	vm6 =	vlt.f32 v23, v25;
	v60 =	vmul.f32 $1.250000000e+00, v23;
	vm7 =	vlt.f32 v5, v11  }
0x8c: {  	vm8 =	vlt.f32 v16, v19;
	vm9 =	vlt.f32 v7, v20;
	vm15 =	vlt.f32 v8, v12  }
0x8d: {  	vm2 =	vmand vm5, vm2;
	v2 =	vadd.s32 v2, v22;
	v61 =	vsel vm3, $0x10001, v14  }
0x8e: {  	vm13 =	vgt.f32 v9, $0.0e+00;
	vm14 =	vlt.f32 v15, v17;
	v62 =	vsel vm1, $0x10000, v0  }
0x8f: {  	vm10 =	vlt.f32 v9, v24;
	vm8 =	vmand vm9, vm8;
	vm0 =	vmand vm7, vm0  }
0x90: {  	p0 =	seq.s32 s21, $0x2;
	vm4 =	vmand vm15, vm4;
	v6 =	vsel vm2, $0x10001, v6;
	v5 =	vsel vm8, $0x10001, v21  }
.Ltmp2:
0x91: {  	v7 =	vsel vm0, $0x10001, v10;
	vm12 =	vlt.f32 v13, v60;
	vm15 =	vmand vm10, vm14;
	(pc) =	sbr.rel @p0 .LBB2_8-.Ltmp2, $4  }
0x92: {  	v2 =	vadd.s32 v7, v2;
	vm0 =	vmand vm12, vm6;
	v7 =	vsel vm13, $0x10000, v0  }
0x93: {  	v4 =	vadd.s32 v4, v5;
	v63 =	vsel vm0, $0x10001, v18;
	v7 =	vsel vm15, $0x10001, v7  }
0x94: {  	v5 =	vsel vm4, $0x10001, v62;
	v3 =	vadd.s32 v3, v63;
	v1 =	vadd.s32 v1, v7  }
0x95: {  	v4 =	vadd.s32 v6, v4;
	v1 =	vadd.s32 v61, v1;
	v3 =	vadd.s32 v5, v3  }
0x96: {  	s22 =	sadd.s32 s22, s10  }
0x97: {  	s22 =	sshll.u32 s22, $0x6  }
.Ltmp3:
0x98: {  	s22 =	sand.u32 $0xFFFF800, s22;
	(pc) =	sbr.rel .LBB2_2-.Ltmp3, $4  }
0x99: {  	s23 =	sadd.s32 s1, s22  }
0x9a: {  	[tilespmem:s14], [sflag:$0x2] =	stream.linear.gather [hbm4b:s23+s4], $0x4000, $0x38;
	[tilespmem:$0x10080] =	vst v63  }
0x9b: {  	s21 =	sadd.s32 $0x1, s21;
	s22 =	sadd.s32 s3, s22  }
0x9c: {  	[tilespmem:s15], [sflag:$0x2] =	stream.linear.gather [hbm4b:s22+s4], $0x4000, $0x38;
	[tilespmem:$0x10080] =	vst v63  }
.LBB2_8:
0x9d: {  	_ =	swait.ge [sflag:s16], $0x4000  }
0x9e: {  	[sflag:s16] =	ssyncset.done $0x0  }
0x9f: {  	s21 =	simm.s32 $0x0;
	[sflag:s16] =	ssyncadd.s32 $0xFFFFC000  }
0xa0: {  	s22 =	sand.u32 $0x3000, s21;
	s23 =	sand.u32 $0xC00, s21;
	_ =	swait.ge [sflag:s16], $0x4000  }
0xa1: {  	s21 =	sand.u32 $0x380, s21;
	s22 =	sor.u32 s23, s22;
	[sflag:s16] =	ssyncset.done $0x0  }
0xa2: {  	s21 =	sor.u32 s21, s22;
	[sflag:s16] =	ssyncadd.s32 $0xFFFFC000  }
0xa3: {  	v6 =	vld [tilespmem:s21+$0x50]  }
0xa4: {  	v5 =	vld [tilespmem:s21+$0x8050]  }
0xa5: {  	v18 =	vld [tilespmem:s21+$0x8060]  }
0xa6: {  	v22 =	vld [tilespmem:s21+$0x40]  }
0xa7: {  	v9 =	vld [tilespmem:s21+$0x8070]  }
0xa8: {  	v17 =	vld [tilespmem:s21+$0x60]  }
0xa9: {  	v23 =	vld [tilespmem:s21+$0x8010]  }
0xaa: {  	v21 =	vld [tilespmem:s21+$0x10]  }
0xab: {  	v13 =	vld [tilespmem:s21+$0x8000]  }
0xac: {  	v14 =	vld [tilespmem:s21+$0x70]  }
0xad: {  	v7 =	vld [tilespmem:s21+$0x8020];
	v8 =	vmul.f32 $1.250000000e+00, v5;
	vm1 =	vgt.f32 v5, $0.0e+00;
	v11 =	vmul.f32 $1.250000000e+00, v6  }
0xae: {  	v16 =	vld [tilespmem:s21+$0x20];
	v19 =	vmul.f32 $1.250000000e+00, v18;
	vm2 =	vgt.f32 v18, $0.0e+00;
	v12 =	vmul.f32 $1.250000000e+00, v22  }
0xaf: {  	v20 =	vmul.f32 $1.250000000e+00, v9;
	vm3 =	vgt.f32 v9, $0.0e+00;
	v24 =	vmul.f32 $1.250000000e+00, v17  }
0xb0: {  	vm4 =	vgt.f32 v23, $0.0e+00;
	v26 =	vmul.f32 $1.250000000e+00, v21;
	vm6 =	vgt.f32 v13, $0.0e+00  }
0xb1: {  	v10 =	vsel vm1, $0x10000, v0;
	vm0 =	vlt.f32 v6, v8;
	v8 =	vld [tilespmem:s21+$0x8040];
	v6 =	vmul.f32 $1.250000000e+00, v14  }
0xb2: {  	v15 =	vsel vm3, $0x10000, v0;
	v27 =	vsel vm4, $0x10000, v0;
	vm3 =	vlt.f32 v14, v20;
	v14 =	vld [tilespmem:s21+$0x30]  }
0xb3: {  	vm4 =	vgt.f32 v7, $0.0e+00;
	v20 =	vmul.f32 $1.250000000e+00, v16;
	vm1 =	vlt.f32 v9, v6;
	v9 =	vld [tilespmem:s21+$0x8030]  }
0xb4: {  	v6 =	vsel vm2, $0x10000, v0;
	vm2 =	vlt.f32 v17, v19;
	v17 =	vmul.f32 $1.250000000e+00, v23  }
0xb5: {  	vm7 =	vlt.f32 v23, v26;
	v19 =	vmul.f32 $1.250000000e+00, v7;
	vm3 =	vmand vm1, vm3  }
0xb6: {  	v23 =	vld [tilespmem:s21+$0x0];
	vm5 =	vlt.f32 v21, v17;
	v21 =	vsel vm4, $0x10000, v0;
	v25 =	vmul.f32 $1.250000000e+00, v8  }
0xb7: {  	vm1 =	vgt.f32 v8, $0.0e+00;
	vm7 =	vmand vm7, vm5;
	vm5 =	vlt.f32 v18, v24  }
0xb8: {  	v18 =	vsel vm6, $0x10000, v0;
	v24 =	vmul.f32 $1.250000000e+00, v14;
	v17 =	vmul.f32 $1.250000000e+00, v9  }
0xb9: {  	s24 =	simm.s32 $0x400;
	s22 =	simm.s32 $0x80;
	s21 =	simm.s32 $0x20;
	vm4 =	vlt.f32 v22, v25;
	v25 =	vmul.f32 $1.250000000e+00, v13;
	v22 =	vsel vm7, $0x10001, v27  }
.LBB2_9:
0xba: {  	s23 =	smov.u32 s24  }
0xbb: {  	s25 =	sand.u32 $0x3000, s22;
	s26 =	sand.u32 $0xC00, s24;
	vm6 =	vlt.f32 v23, v25;
	v23 =	vmul.f32 $1.250000000e+00, v23;
	vm8 =	vlt.f32 v5, v11;
	s23 =	sadd.s32 $0x400, s24  }
0xbc: {  	p0 =	sne.s32 s24, $0x1FC00;
	vm9 =	vlt.f32 v16, v19;
	vm10 =	vlt.f32 v7, v20;
	s25 =	sor.u32 s26, s25;
	s26 =	sand.u32 $0x380, s21;
	vm7 =	vlt.f32 v9, v24  }
0xbd: {  	vm9 =	vmand vm10, vm9;
	vm10 =	vlt.f32 v8, v12;
	vm0 =	vmand vm8, vm0;
	s24 =	sor.u32 s26, s25  }
0xbe: {  	vm2 =	vmand vm5, vm2;
	v7 =	vsel vm9, $0x10001, v21;
	vm4 =	vmand vm10, vm4;
	v8 =	vld [tilespmem:s24+$0x50]  }
0xbf: {  	v2 =	vadd.s32 v2, v22;
	v15 =	vsel vm3, $0x10001, v15;
	v10 =	vsel vm0, $0x10001, v10;
	v5 =	vld [tilespmem:s24+$0x8050]  }
0xc0: {  	vm3 =	vgt.f32 v9, $0.0e+00;
	vm0 =	vlt.f32 v13, v23;
	v2 =	vadd.s32 v10, v2;
	v22 =	vld [tilespmem:s24+$0x8060]  }
0xc1: {  	v9 =	vsel vm3, $0x10000, v0;
	vm0 =	vmand vm0, vm6;
	v10 =	vsel vm1, $0x10000, v0;
	v24 =	vld [tilespmem:s24+$0x40]  }
0xc2: {  	v4 =	vadd.s32 v4, v7;
	v12 =	vsel vm0, $0x10001, v18;
	vm0 =	vlt.f32 v14, v17;
	v19 =	vld [tilespmem:s24+$0x70]  }
0xc3: {  	v6 =	vsel vm2, $0x10001, v6;
	v14 =	vsel vm4, $0x10001, v10;
	vm0 =	vmand vm7, vm0;
	v13 =	vld [tilespmem:s24+$0x8070]  }
0xc4: {  	v9 =	vsel vm0, $0x10001, v9;
	v7 =	vld [tilespmem:s24+$0x8020];
	v10 =	vmul.f32 $1.250000000e+00, v5;
	vm1 =	vgt.f32 v5, $0.0e+00  }
0xc5: {  	v3 =	vadd.s32 v3, v12;
	v11 =	vmul.f32 $1.250000000e+00, v8;
	v17 =	vld [tilespmem:s24+$0x60];
	v18 =	vmul.f32 $1.250000000e+00, v22  }
0xc6: {  	v4 =	vadd.s32 v6, v4;
	vm2 =	vgt.f32 v22, $0.0e+00;
	v25 =	vld [tilespmem:s24+$0x8010];
	vm0 =	vlt.f32 v8, v10  }
0xc7: {  	v1 =	vadd.s32 v1, v9;
	v12 =	vmul.f32 $1.250000000e+00, v24;
	v8 =	vld [tilespmem:s24+$0x8040];
	v6 =	vmul.f32 $1.250000000e+00, v19  }
0xc8: {  	v1 =	vadd.s32 v15, v1;
	v16 =	vld [tilespmem:s24+$0x20];
	v20 =	vmul.f32 $1.250000000e+00, v13;
	vm3 =	vgt.f32 v13, $0.0e+00  }
0xc9: {  	v3 =	vadd.s32 v14, v3;
	v10 =	vsel vm1, $0x10000, v0;
	v21 =	vld [tilespmem:s24+$0x10];
	vm1 =	vlt.f32 v13, v6  }
0xca: {  	v6 =	vsel vm2, $0x10000, v0;
	v15 =	vsel vm3, $0x10000, v0;
	v9 =	vld [tilespmem:s24+$0x8030];
	v26 =	vmul.f32 $1.250000000e+00, v17  }
0xcb: {  	vm2 =	vlt.f32 v17, v18;
	vm3 =	vlt.f32 v19, v20;
	v13 =	vld [tilespmem:s24+$0x8000];
	vm4 =	vgt.f32 v25, $0.0e+00  }
0xcc: {  	v19 =	vmul.f32 $1.250000000e+00, v7;
	vm3 =	vmand vm1, vm3;
	v18 =	vmul.f32 $1.250000000e+00, v8  }
0xcd: {  	v17 =	vmul.f32 $1.250000000e+00, v25;
	vm1 =	vgt.f32 v8, $0.0e+00;
	v20 =	vmul.f32 $1.250000000e+00, v16;
	v14 =	vld [tilespmem:s24+$0x30]  }
.Ltmp4:
0xce: {  	v28 =	vsel vm4, $0x10000, v0;
	vm4 =	vgt.f32 v7, $0.0e+00;
	v23 =	vld [tilespmem:s24+$0x0];
	v27 =	vmul.f32 $1.250000000e+00, v21;
	(pc) =	sbr.rel @p0 .LBB2_9-.Ltmp4, $4  }
0xcf: {  	vm5 =	vlt.f32 v21, v17;
	v21 =	vsel vm4, $0x10000, v0;
	v17 =	vmul.f32 $1.250000000e+00, v9  }
0xd0: {  	vm4 =	vlt.f32 v24, v18;
	vm6 =	vgt.f32 v13, $0.0e+00;
	vm7 =	vlt.f32 v25, v27  }
0xd1: {  	v25 =	vmul.f32 $1.250000000e+00, v13;
	vm7 =	vmand vm7, vm5;
	vm5 =	vlt.f32 v22, v26  }
0xd2: {  	s22 =	sadd.s32 $0x80, s22;
	s21 =	sadd.s32 $0x20, s21;
	s24 =	smov.u32 s23;
	v18 =	vsel vm6, $0x10000, v0;
	v22 =	vsel vm7, $0x10001, v28;
	v24 =	vmul.f32 $1.250000000e+00, v14  }
0xd3: {  	vm6 =	vlt.f32 v23, v25;
	v56 =	vmul.f32 $1.250000000e+00, v23;
	vm7 =	vlt.f32 v5, v11  }
0xd4: {  	vm8 =	vlt.f32 v16, v19;
	vm9 =	vlt.f32 v7, v20;
	vm12 =	vlt.f32 v8, v12  }
0xd5: {  	vm2 =	vmand vm5, vm2;
	v2 =	vadd.s32 v2, v22;
	v59 =	vsel vm3, $0x10001, v15  }
0xd6: {  	vm14 =	vgt.f32 v9, $0.0e+00;
	v61 =	vsel vm1, $0x10000, v0;
	vm15 =	vlt.f32 v14, v17  }
0xd7: {  	vm10 =	vlt.f32 v9, v24;
	vm8 =	vmand vm9, vm8;
	vm0 =	vmand vm7, vm0  }
0xd8: {  	vm4 =	vmand vm12, vm4;
	v60 =	vsel vm14, $0x10000, v0;
	vm13 =	vlt.f32 v13, v56  }
0xd9: {  	v6 =	vsel vm2, $0x10001, v6;
	v58 =	vsel vm0, $0x10001, v10;
	vm0 =	vmand vm13, vm6  }
0xda: {  	v57 =	vsel vm8, $0x10001, v21;
	v63 =	vsel vm4, $0x10001, v61;
	v62 =	vsel vm0, $0x10001, v18  }
0xdb: {  	v2 =	vadd.s32 v58, v2;
	vm0 =	vmand vm10, vm15;
	v3 =	vadd.s32 v3, v62  }
0xdc: {  	v4 =	vadd.s32 v4, v57;
	v7 =	vsel vm0, $0x10001, v60;
	v3 =	vadd.s32 v63, v3  }
0xdd: {  	v4 =	vadd.s32 v6, v4;
	v1 =	vadd.s32 v1, v7;
	v2 =	vadd.s32 v3, v2  }
0xde: {  	s20 =	sadd.s32 $0x1, s20;
	v1 =	vadd.s32 v59, v1;
	v2 =	vadd.s32 v4, v2  }
0xdf: {  	p0 =	sne.s32 s20, s12;
	v1 =	vadd.s32 v1, v2  }
.Ltmp5:
0xe0: {  	[tilespmem:$0x10000] =	vst v1;
	(pc) =	sbr.rel @p0 .LBB2_1-.Ltmp5, $4  }
0xe1: {  	[hbm4b:s11+s4] =	stream.linear.scatter [tilespmem:s18], [sflag:$0x3], $0x80, $0x38;
	[tilespmem:$0x10080] =	vst v63  }
0xe2: {  	_ =	swait.ge [sflag:s19], $0x80  }
0xe3: {  	[sflag:s19] =	ssyncset.done $0x0  }
0xe4: {  	[sflag:s19] =	ssyncadd.s32 $0xFFFFFF80  }
0xe5: {  	_ =	sfence.sel $0x180000  }
0xe6: {  	[bflag:$0x0] =	sbarrier.arrive $0xFFFF  }
0xe7: {  	p0 =	sne.s32 s0, $0x0;
	_ =	strace $0x90000047  }
0xe8: {  	s0 =	sadd.s32 @!p0 $0x100000, s2;
	[bflag:$0x2] =	sbarrier.arrive $0xFFFF  }
0xe9: {  	[sflag:s0] =	ssyncadd.tile.s32 @!p0 $0x1;
	_ =	shalt  }
.Lfunc_end2:
_tile_overlayer_lowered:
.L_overlay_start_2:
0xea: {  	(tag) =	ssettag $0x2  }
0xeb: {  	s0 =	rddreg [dreg:$0x0];
	s2 =	stileid.u32  }
0xec: {  	s1 =	rddreg [dreg:$0x1];
	p0 =	sne.s32 s2, $0x0  }
0xed: {  	s3 =	rddreg [dreg:$0x2];
	[bflag:$0x3] =	sbarrier.arrive $0xFFFF;
	s2 =	simm.s32 @!p0 $0x1C03  }
0xee: {  	[timem:s3], [sflag:s2] =	dma.local @!p0 [hbm:s0], s1  }
0xef: {  	s0 =	simm.s32 @!p0 $0x3  }
0xf0: {  	_ =	swait.ge @!p0 [sflag:s0], s1  }
0xf1: {  	s1 =	ssub.s32 @!p0 $0x0, s1;
	[sflag:s0] =	ssyncset.done @!p0 $0x0  }
0xf2: {  	[sflag:s0] =	ssyncadd.s32 @!p0 s1  }
0xf3: {  	[bflag:$0x3] =	sbarrier.arrive $0xFFFF  }
0xf4: {  	_ =	shalt  }

</sc_bundles>
